<compile_context>
chip_gen: v7x
topology: tpu7x:2x2x1
jax: 0.10.2.dev20260603
libtpu: 0.0.44.dev20260713+nightly
codegen_flags: <defaults>
</compile_context>

<pallas_src>
import functools

import jax
import jax.numpy as jnp
from jax import lax
from jax.experimental import pallas as pl
from jax.experimental.pallas import tpu as pltpu
from jax.experimental.pallas import tpu_sc as plsc
from jax.experimental.layout import Layout, with_layout_constraint


def _rsqrt(x):
    i = plsc.bitcast(x, jnp.int32)
    i = jnp.int32(0x5F3759DF) - (i >> 1)
    y = plsc.bitcast(i, jnp.float32)
    xh = x * jnp.float32(0.5)
    for _ in range(3):
        y = y * (jnp.float32(1.5) - xh * y * y)
    return y


def kernel(ind, rots_emb_weight):
    B = ind.shape[0]
    V, D = rots_emb_weight.shape
    ind = ind.astype(jnp.int32)

    info = plsc.get_sparse_core_info()
    NC, NS, L = info.num_cores, info.num_subcores, info.num_lanes
    NW = NC * NS
    assert B % (8 * NW) == 0
    bpw = B // NW

    mesh = plsc.VectorSubcoreMesh(core_axis_name="c", subcore_axis_name="s")

    @functools.partial(
        pl.kernel,
        mesh=mesh,
        compiler_params=pltpu.CompilerParams(
            needs_layout_passes=False,
            use_tc_tiling_on_sc=False,
            disable_bounds_checks=True,
        ),
        out_type=jax.ShapeDtypeStruct((3, 3, B), jnp.float32),
        scratch_types=[
            [pltpu.VMEM((bpw,), jnp.int32) for _ in range(6)],
            [pltpu.VMEM((bpw,), jnp.float32) for _ in range(6)],
            [pltpu.VMEM((1, 1, bpw), jnp.float32) for _ in range(9)],
            pltpu.SemaphoreType.DMA,
        ],
    )
    def sc_kernel(ind_hbm, wt_hbm, out_hbm, idxs, cols, outs_v, sem):
        wid = lax.axis_index("s") * NC + lax.axis_index("c")
        base = wid * bpw
        pltpu.sync_copy(ind_hbm.at[pl.ds(base, bpw)], idxs[0])

        def mkidx(i, carry):
            s = pl.ds(i * L, L)
            v = idxs[0][s]
            pb = ((v >> 7) << 10) | (v & jnp.int32(127))
            for j in range(1, 6):
                idxs[j][s] = pb + jnp.int32(j * 128)
            idxs[0][s] = pb
            return carry

        lax.fori_loop(0, bpw // L, mkidx, 0)
        waits = [
            pltpu.async_copy(wt_hbm.at[0].at[idxs[j]], cols[j], sem)
            for j in range(6)
        ]
        for w in waits:
            w.wait()

        def body(i, carry):
            s = pl.ds(i * L, L)
            a1, a2, a3 = cols[0][s], cols[1][s], cols[2][s]
            b1, b2, b3 = cols[3][s], cols[4][s], cols[5][s]
            n1 = _rsqrt(a1 * a1 + a2 * a2 + a3 * a3)
            e1x, e1y, e1z = a1 * n1, a2 * n1, a3 * n1
            d = e1x * b1 + e1y * b2 + e1z * b3
            u2x, u2y, u2z = b1 - d * e1x, b2 - d * e1y, b3 - d * e1z
            n2 = _rsqrt(u2x * u2x + u2y * u2y + u2z * u2z)
            e2x, e2y, e2z = u2x * n2, u2y * n2, u2z * n2
            e3x = e1y * e2z - e1z * e2y
            e3y = e1z * e2x - e1x * e2z
            e3z = e1x * e2y - e1y * e2x
            es = (e1x, e1y, e1z, e2x, e2y, e2z, e3x, e3y, e3z)
            for k in range(9):
                outs_v[k][0, 0, s] = es[k]
            return carry

        lax.fori_loop(0, bpw // L, body, 0)
        for k in range(9):
            pltpu.sync_copy(
                outs_v[k],
                out_hbm.at[
                    pl.ds(k // 3, 1), pl.ds(k % 3, 1), pl.ds(base, bpw)
                ],
            )

    wt = with_layout_constraint(
        rots_emb_weight.T,
        Layout(major_to_minor=(0, 1), tiling=((8, 128),)),
    )
    out = sc_kernel(ind, wt)
    return with_layout_constraint(
        out.transpose(2, 0, 1),
        Layout(major_to_minor=(1, 2, 0), tiling=((8,),)),
    )

# --- scband reference (transcript-rebuilt; emitter-appended) ---
"""Pipeline reference for scband-pose-tracker-44968307589404 (READ-ONLY COPY).

The authoritative reference and input builder live on the scoring server;
editing this copy changes nothing except your own understanding.
"""

import jax, jax.numpy as jnp
import numpy as np

VOCAB = 1000000
BATCH = 16384


def s2s2_to_SO3(s2s2):
    # s2s2: (..., 6) -> (..., 3, 3), Gram-Schmidt as in cryodrgn lie_tools
    v1 = s2s2[..., 0:3]
    v2 = s2s2[..., 3:6]
    e1 = v1 / jnp.linalg.norm(v1, axis=-1, keepdims=True)
    u2 = v2 - jnp.sum(e1 * v2, axis=-1, keepdims=True) * e1
    e2 = u2 / jnp.linalg.norm(u2, axis=-1, keepdims=True)
    e3 = jnp.cross(e1, e2)
    return jnp.stack([e1, e2, e3], axis=1)


def setup_inputs(seed: int = 0) -> dict:
    key = jax.random.key(seed)
    k1, k2 = jax.random.split(key)
    ind = jax.random.randint(k1, (BATCH,), 0, VOCAB)
    # Learned parameter: rots_emb.weight, the s2s2 embedding of the SO(3)
    # rotations passed in as rots_np at construction time. Shape (VOCAB, 6).
    rots_emb_weight = jax.random.normal(k2, (VOCAB, 6), dtype=jnp.float32)
    return {"ind": ind, "rots_emb_weight": rots_emb_weight}


def reference(ind, rots_emb_weight):
    # PoseTracker.get_pose with emb_type='s2s2', use_trans=False:
    #   rot = s2s2_to_SO3(rots_emb(ind)); tran = None
    emb = jnp.take(rots_emb_weight, ind, axis=0)  # embedding lookup (gather)
    rot = s2s2_to_SO3(emb)
    return rot

if __name__ == "__main__":
    import jax
    _d = setup_inputs()
    print(jax.jit(kernel)(*tuple(_d.values())))

</pallas_src>

<mosaic_0001>
#map = affine_map<(d0, d1) -> (0)>
#map1 = affine_map<(d0, d1) -> (0, 0)>
#map2 = affine_map<(d0, d1) -> (0, 0, 0)>
module attributes {stable_mosaic.version = 14 : i64} {
  func.func @sc_kernel(%arg0: i32, %arg1: i32, %arg2: memref<16384xi32, #tpu.memory_space<hbm>>, %arg3: memref<6x1000000xf32, #tpu.memory_space<hbm>>, %arg4: memref<3x3x16384xf32, #tpu.memory_space<hbm>>, %arg5: memref<512xi32, #tpu.memory_space<vmem>>, %arg6: memref<512xi32, #tpu.memory_space<vmem>>, %arg7: memref<512xi32, #tpu.memory_space<vmem>>, %arg8: memref<512xi32, #tpu.memory_space<vmem>>, %arg9: memref<512xi32, #tpu.memory_space<vmem>>, %arg10: memref<512xi32, #tpu.memory_space<vmem>>, %arg11: memref<512xf32, #tpu.memory_space<vmem>>, %arg12: memref<512xf32, #tpu.memory_space<vmem>>, %arg13: memref<512xf32, #tpu.memory_space<vmem>>, %arg14: memref<512xf32, #tpu.memory_space<vmem>>, %arg15: memref<512xf32, #tpu.memory_space<vmem>>, %arg16: memref<512xf32, #tpu.memory_space<vmem>>, %arg17: memref<1x1x512xf32, #tpu.memory_space<vmem>>, %arg18: memref<1x1x512xf32, #tpu.memory_space<vmem>>, %arg19: memref<1x1x512xf32, #tpu.memory_space<vmem>>, %arg20: memref<1x1x512xf32, #tpu.memory_space<vmem>>, %arg21: memref<1x1x512xf32, #tpu.memory_space<vmem>>, %arg22: memref<1x1x512xf32, #tpu.memory_space<vmem>>, %arg23: memref<1x1x512xf32, #tpu.memory_space<vmem>>, %arg24: memref<1x1x512xf32, #tpu.memory_space<vmem>>, %arg25: memref<1x1x512xf32, #tpu.memory_space<vmem>>, %arg26: memref<!tpu.dma_semaphore, #tpu.memory_space<semaphore_mem>>) attributes {dimension_semantics = [#tpu.dimension_semantics<core_parallel>, #tpu.dimension_semantics<subcore_parallel>], iteration_bounds = array<i64: 2, 16>, scalar_prefetch = 0 : i64, scratch_operands = 22 : i64, tpu.core_type = #tpu.core_type<sc_vector_subcore>, window_params = [{transform_indices = #map}, {transform_indices = #map1}, {transform_indices = #map2}]} {
    %mul3A = arith.constant 2 : i32
    %mul3A_0 = arith.muli %arg1, %mul3A : i32
    %add3A = arith.addi %mul3A_0, %arg0 : i32
    %mul3A_1 = arith.constant 512 : i32
    %mul3A_2 = arith.muli %add3A, %mul3A_1 : i32
    "tpu.region"() ({
      %run_scoped3A = tpu.sem_alloc : memref<!tpu.dma_semaphore, #tpu.memory_space<semaphore_mem>>
      %dma_start3A_84 = tpu.memref_slice %arg2[%mul3A_2] : memref<16384xi32, #tpu.memory_space<hbm>> -> memref<512xi32, #tpu.memory_space<hbm>>
      %dma_start3A_85 = tpu.memref_slice %arg2[%mul3A_2] : memref<16384xi32, #tpu.memory_space<hbm>> -> memref<512xi32, #tpu.memory_space<hbm>>
      tpu.enqueue_dma source(%dma_start3A_85 : memref<512xi32, #tpu.memory_space<hbm>>) target(%arg5 : memref<512xi32, #tpu.memory_space<vmem>>) target_semaphore(%run_scoped3A : memref<!tpu.dma_semaphore, #tpu.memory_space<semaphore_mem>>)
      %dma_wait3A_86 = tpu.memref_slice %arg2[%mul3A_2] : memref<16384xi32, #tpu.memory_space<hbm>> -> memref<512xi32, #tpu.memory_space<hbm>>
      %dma_wait3A_87 = tpu.memref_slice %arg2[%mul3A_2] : memref<16384xi32, #tpu.memory_space<hbm>> -> memref<512xi32, #tpu.memory_space<hbm>>
      tpu.wait_dma2 semaphore(%run_scoped3A : memref<!tpu.dma_semaphore, #tpu.memory_space<semaphore_mem>>) src(%dma_wait3A_87 : memref<512xi32, #tpu.memory_space<hbm>>) dst(%arg5 : memref<512xi32, #tpu.memory_space<vmem>>)
      tpu.yield
    }) : () -> ()
    %scan3A = arith.constant 0 : i32
    %scan3A_3 = arith.constant 0 : i32
    %scan3A_4 = arith.constant 32 : i32
    %scan3A_5 = arith.addi %scan3A_3, %scan3A_4 : i32
    %scan3A_6 = arith.constant 1 : i32
    scf.for %scan3A_84 = %scan3A_3 to %scan3A_5 step %scan3A_6  : i32 {
      %mul3A_85 = arith.constant 16 : i32
      %mul3A_86 = arith.muli %scan3A_84, %mul3A_85 : i32
      %get3A = arith.index_cast %mul3A_86 : i32 to index
      %get3A_87 = tpu.vector_load %arg5[%get3A] {strides = array<i32>} : memref<512xi32, #tpu.memory_space<vmem>>, vector<16xi32>,
      %shift_right_arithmetic3A = arith.constant 7 : i32
      %shift_right_arithmetic3A_88 = vector.broadcast %shift_right_arithmetic3A : i32 to vector<16xi32>
      %shift_right_arithmetic3A_89 = arith.shrsi %get3A_87, %shift_right_arithmetic3A_88 : vector<16xi32>
      %shift_left3A = arith.constant 10 : i32
      %shift_left3A_90 = vector.broadcast %shift_left3A : i32 to vector<16xi32>
      %shift_left3A_91 = arith.shli %shift_right_arithmetic3A_89, %shift_left3A_90 : vector<16xi32>
      %and3A = arith.constant 127 : i32
      %and3A_92 = vector.broadcast %and3A : i32 to vector<16xi32>
      %and3A_93 = arith.andi %get3A_87, %and3A_92 : vector<16xi32>
      %or3A = arith.ori %shift_left3A_91, %and3A_93 : vector<16xi32>
      %add3A_94 = arith.constant 128 : i32
      %add3A_95 = vector.broadcast %add3A_94 : i32 to vector<16xi32>
      %add3A_96 = arith.addi %or3A, %add3A_95 : vector<16xi32>
      %swap3A = arith.index_cast %mul3A_86 : i32 to index
      %swap3A_97 = tpu.vector_load %arg6[%swap3A] {strides = array<i32>} : memref<512xi32, #tpu.memory_space<vmem>>, vector<16xi32>,
      tpu.vector_store %arg6[%swap3A], %add3A_96 {strides = array<i32>} : memref<512xi32, #tpu.memory_space<vmem>>, vector<16xi32>,
      %add3A_98 = arith.constant 256 : i32
      %add3A_99 = vector.broadcast %add3A_98 : i32 to vector<16xi32>
      %add3A_100 = arith.addi %or3A, %add3A_99 : vector<16xi32>
      %swap3A_101 = arith.index_cast %mul3A_86 : i32 to index
      %swap3A_102 = tpu.vector_load %arg7[%swap3A_101] {strides = array<i32>} : memref<512xi32, #tpu.memory_space<vmem>>, vector<16xi32>,
      tpu.vector_store %arg7[%swap3A_101], %add3A_100 {strides = array<i32>} : memref<512xi32, #tpu.memory_space<vmem>>, vector<16xi32>,
      %add3A_103 = arith.constant 384 : i32
      %add3A_104 = vector.broadcast %add3A_103 : i32 to vector<16xi32>
      %add3A_105 = arith.addi %or3A, %add3A_104 : vector<16xi32>
      %swap3A_106 = arith.index_cast %mul3A_86 : i32 to index
      %swap3A_107 = tpu.vector_load %arg8[%swap3A_106] {strides = array<i32>} : memref<512xi32, #tpu.memory_space<vmem>>, vector<16xi32>,
      tpu.vector_store %arg8[%swap3A_106], %add3A_105 {strides = array<i32>} : memref<512xi32, #tpu.memory_space<vmem>>, vector<16xi32>,
      %add3A_108 = arith.constant 512 : i32
      %add3A_109 = vector.broadcast %add3A_108 : i32 to vector<16xi32>
      %add3A_110 = arith.addi %or3A, %add3A_109 : vector<16xi32>
      %swap3A_111 = arith.index_cast %mul3A_86 : i32 to index
      %swap3A_112 = tpu.vector_load %arg9[%swap3A_111] {strides = array<i32>} : memref<512xi32, #tpu.memory_space<vmem>>, vector<16xi32>,
      tpu.vector_store %arg9[%swap3A_111], %add3A_110 {strides = array<i32>} : memref<512xi32, #tpu.memory_space<vmem>>, vector<16xi32>,
      %add3A_113 = arith.constant 640 : i32
      %add3A_114 = vector.broadcast %add3A_113 : i32 to vector<16xi32>
      %add3A_115 = arith.addi %or3A, %add3A_114 : vector<16xi32>
      %swap3A_116 = arith.index_cast %mul3A_86 : i32 to index
      %swap3A_117 = tpu.vector_load %arg10[%swap3A_116] {strides = array<i32>} : memref<512xi32, #tpu.memory_space<vmem>>, vector<16xi32>,
      tpu.vector_store %arg10[%swap3A_116], %add3A_115 {strides = array<i32>} : memref<512xi32, #tpu.memory_space<vmem>>, vector<16xi32>,
      %swap3A_118 = arith.index_cast %mul3A_86 : i32 to index
      %swap3A_119 = tpu.vector_load %arg5[%swap3A_118] {strides = array<i32>} : memref<512xi32, #tpu.memory_space<vmem>>, vector<16xi32>,
      tpu.vector_store %arg5[%swap3A_118], %or3A {strides = array<i32>} : memref<512xi32, #tpu.memory_space<vmem>>, vector<16xi32>,
    }
    %scan3A_7 = arith.constant 32 : i32
    %dma_start3A = arith.constant 0 : i32
    %dma_start3A_8 = arith.constant 0 : i32
    %dma_start3A_9 = tpu.memref_slice %arg3[%dma_start3A, %dma_start3A_8] : memref<6x1000000xf32, #tpu.memory_space<hbm>> -> memref<1x1000000xf32, #tpu.memory_space<hbm>>
    %dma_start3A_10 = tpu.memref_squeeze %dma_start3A_9 : memref<1x1000000xf32, #tpu.memory_space<hbm>> -> memref<1000000xf32, #tpu.memory_space<hbm>>
    %dma_start3A_11 = arith.constant 0 : i32
    %dma_start3A_12 = tpu.memref_slice %dma_start3A_10[%dma_start3A_11] : memref<1000000xf32, #tpu.memory_space<hbm>> -> memref<1000000xf32, #tpu.memory_space<hbm>>
    tpu.enqueue_indirect_dma source(%dma_start3A_12 : memref<1000000xf32, #tpu.memory_space<hbm>>) target(%arg11 : memref<512xf32, #tpu.memory_space<vmem>>) offsets(%arg5 : memref<512xi32, #tpu.memory_space<vmem>>) semaphore(%arg26 : memref<!tpu.dma_semaphore, #tpu.memory_space<semaphore_mem>>)
    %dma_start3A_13 = arith.constant 0 : i32
    %dma_start3A_14 = arith.constant 0 : i32
    %dma_start3A_15 = tpu.memref_slice %arg3[%dma_start3A_13, %dma_start3A_14] : memref<6x1000000xf32, #tpu.memory_space<hbm>> -> memref<1x1000000xf32, #tpu.memory_space<hbm>>
    %dma_start3A_16 = tpu.memref_squeeze %dma_start3A_15 : memref<1x1000000xf32, #tpu.memory_space<hbm>> -> memref<1000000xf32, #tpu.memory_space<hbm>>
    %dma_start3A_17 = arith.constant 0 : i32
    %dma_start3A_18 = tpu.memref_slice %dma_start3A_16[%dma_start3A_17] : memref<1000000xf32, #tpu.memory_space<hbm>> -> memref<1000000xf32, #tpu.memory_space<hbm>>
    tpu.enqueue_indirect_dma source(%dma_start3A_18 : memref<1000000xf32, #tpu.memory_space<hbm>>) target(%arg12 : memref<512xf32, #tpu.memory_space<vmem>>) offsets(%arg6 : memref<512xi32, #tpu.memory_space<vmem>>) semaphore(%arg26 : memref<!tpu.dma_semaphore, #tpu.memory_space<semaphore_mem>>)
    %dma_start3A_19 = arith.constant 0 : i32
    %dma_start3A_20 = arith.constant 0 : i32
    %dma_start3A_21 = tpu.memref_slice %arg3[%dma_start3A_19, %dma_start3A_20] : memref<6x1000000xf32, #tpu.memory_space<hbm>> -> memref<1x1000000xf32, #tpu.memory_space<hbm>>
    %dma_start3A_22 = tpu.memref_squeeze %dma_start3A_21 : memref<1x1000000xf32, #tpu.memory_space<hbm>> -> memref<1000000xf32, #tpu.memory_space<hbm>>
    %dma_start3A_23 = arith.constant 0 : i32
    %dma_start3A_24 = tpu.memref_slice %dma_start3A_22[%dma_start3A_23] : memref<1000000xf32, #tpu.memory_space<hbm>> -> memref<1000000xf32, #tpu.memory_space<hbm>>
    tpu.enqueue_indirect_dma source(%dma_start3A_24 : memref<1000000xf32, #tpu.memory_space<hbm>>) target(%arg13 : memref<512xf32, #tpu.memory_space<vmem>>) offsets(%arg7 : memref<512xi32, #tpu.memory_space<vmem>>) semaphore(%arg26 : memref<!tpu.dma_semaphore, #tpu.memory_space<semaphore_mem>>)
    %dma_start3A_25 = arith.constant 0 : i32
    %dma_start3A_26 = arith.constant 0 : i32
    %dma_start3A_27 = tpu.memref_slice %arg3[%dma_start3A_25, %dma_start3A_26] : memref<6x1000000xf32, #tpu.memory_space<hbm>> -> memref<1x1000000xf32, #tpu.memory_space<hbm>>
    %dma_start3A_28 = tpu.memref_squeeze %dma_start3A_27 : memref<1x1000000xf32, #tpu.memory_space<hbm>> -> memref<1000000xf32, #tpu.memory_space<hbm>>
    %dma_start3A_29 = arith.constant 0 : i32
    %dma_start3A_30 = tpu.memref_slice %dma_start3A_28[%dma_start3A_29] : memref<1000000xf32, #tpu.memory_space<hbm>> -> memref<1000000xf32, #tpu.memory_space<hbm>>
    tpu.enqueue_indirect_dma source(%dma_start3A_30 : memref<1000000xf32, #tpu.memory_space<hbm>>) target(%arg14 : memref<512xf32, #tpu.memory_space<vmem>>) offsets(%arg8 : memref<512xi32, #tpu.memory_space<vmem>>) semaphore(%arg26 : memref<!tpu.dma_semaphore, #tpu.memory_space<semaphore_mem>>)
    %dma_start3A_31 = arith.constant 0 : i32
    %dma_start3A_32 = arith.constant 0 : i32
    %dma_start3A_33 = tpu.memref_slice %arg3[%dma_start3A_31, %dma_start3A_32] : memref<6x1000000xf32, #tpu.memory_space<hbm>> -> memref<1x1000000xf32, #tpu.memory_space<hbm>>
    %dma_start3A_34 = tpu.memref_squeeze %dma_start3A_33 : memref<1x1000000xf32, #tpu.memory_space<hbm>> -> memref<1000000xf32, #tpu.memory_space<hbm>>
    %dma_start3A_35 = arith.constant 0 : i32
    %dma_start3A_36 = tpu.memref_slice %dma_start3A_34[%dma_start3A_35] : memref<1000000xf32, #tpu.memory_space<hbm>> -> memref<1000000xf32, #tpu.memory_space<hbm>>
    tpu.enqueue_indirect_dma source(%dma_start3A_36 : memref<1000000xf32, #tpu.memory_space<hbm>>) target(%arg15 : memref<512xf32, #tpu.memory_space<vmem>>) offsets(%arg9 : memref<512xi32, #tpu.memory_space<vmem>>) semaphore(%arg26 : memref<!tpu.dma_semaphore, #tpu.memory_space<semaphore_mem>>)
    %dma_start3A_37 = arith.constant 0 : i32
    %dma_start3A_38 = arith.constant 0 : i32
    %dma_start3A_39 = tpu.memref_slice %arg3[%dma_start3A_37, %dma_start3A_38] : memref<6x1000000xf32, #tpu.memory_space<hbm>> -> memref<1x1000000xf32, #tpu.memory_space<hbm>>
    %dma_start3A_40 = tpu.memref_squeeze %dma_start3A_39 : memref<1x1000000xf32, #tpu.memory_space<hbm>> -> memref<1000000xf32, #tpu.memory_space<hbm>>
    %dma_start3A_41 = arith.constant 0 : i32
    %dma_start3A_42 = tpu.memref_slice %dma_start3A_40[%dma_start3A_41] : memref<1000000xf32, #tpu.memory_space<hbm>> -> memref<1000000xf32, #tpu.memory_space<hbm>>
    tpu.enqueue_indirect_dma source(%dma_start3A_42 : memref<1000000xf32, #tpu.memory_space<hbm>>) target(%arg16 : memref<512xf32, #tpu.memory_space<vmem>>) offsets(%arg10 : memref<512xi32, #tpu.memory_space<vmem>>) semaphore(%arg26 : memref<!tpu.dma_semaphore, #tpu.memory_space<semaphore_mem>>)
    %dma_wait3A = arith.constant 0 : i32
    %dma_wait3A_43 = arith.constant 0 : i32
    %dma_wait3A_44 = tpu.memref_slice %arg3[%dma_wait3A, %dma_wait3A_43] : memref<6x1000000xf32, #tpu.memory_space<hbm>> -> memref<1x1000000xf32, #tpu.memory_space<hbm>>
    %dma_wait3A_45 = tpu.memref_squeeze %dma_wait3A_44 : memref<1x1000000xf32, #tpu.memory_space<hbm>> -> memref<1000000xf32, #tpu.memory_space<hbm>>
    %dma_wait3A_46 = arith.constant 0 : i32
    %dma_wait3A_47 = tpu.memref_slice %dma_wait3A_45[%dma_wait3A_46] : memref<1000000xf32, #tpu.memory_space<hbm>> -> memref<1000000xf32, #tpu.memory_space<hbm>>
    tpu.wait_indirect_dma semaphore(%arg26 : memref<!tpu.dma_semaphore, #tpu.memory_space<semaphore_mem>>) src(%dma_wait3A_47 : memref<1000000xf32, #tpu.memory_space<hbm>>) dst(%arg11 : memref<512xf32, #tpu.memory_space<vmem>>)
    %dma_wait3A_48 = arith.constant 0 : i32
    %dma_wait3A_49 = arith.constant 0 : i32
    %dma_wait3A_50 = tpu.memref_slice %arg3[%dma_wait3A_48, %dma_wait3A_49] : memref<6x1000000xf32, #tpu.memory_space<hbm>> -> memref<1x1000000xf32, #tpu.memory_space<hbm>>
    %dma_wait3A_51 = tpu.memref_squeeze %dma_wait3A_50 : memref<1x1000000xf32, #tpu.memory_space<hbm>> -> memref<1000000xf32, #tpu.memory_space<hbm>>
    %dma_wait3A_52 = arith.constant 0 : i32
    %dma_wait3A_53 = tpu.memref_slice %dma_wait3A_51[%dma_wait3A_52] : memref<1000000xf32, #tpu.memory_space<hbm>> -> memref<1000000xf32, #tpu.memory_space<hbm>>
    tpu.wait_indirect_dma semaphore(%arg26 : memref<!tpu.dma_semaphore, #tpu.memory_space<semaphore_mem>>) src(%dma_wait3A_53 : memref<1000000xf32, #tpu.memory_space<hbm>>) dst(%arg12 : memref<512xf32, #tpu.memory_space<vmem>>)
    %dma_wait3A_54 = arith.constant 0 : i32
    %dma_wait3A_55 = arith.constant 0 : i32
    %dma_wait3A_56 = tpu.memref_slice %arg3[%dma_wait3A_54, %dma_wait3A_55] : memref<6x1000000xf32, #tpu.memory_space<hbm>> -> memref<1x1000000xf32, #tpu.memory_space<hbm>>
    %dma_wait3A_57 = tpu.memref_squeeze %dma_wait3A_56 : memref<1x1000000xf32, #tpu.memory_space<hbm>> -> memref<1000000xf32, #tpu.memory_space<hbm>>
    %dma_wait3A_58 = arith.constant 0 : i32
    %dma_wait3A_59 = tpu.memref_slice %dma_wait3A_57[%dma_wait3A_58] : memref<1000000xf32, #tpu.memory_space<hbm>> -> memref<1000000xf32, #tpu.memory_space<hbm>>
    tpu.wait_indirect_dma semaphore(%arg26 : memref<!tpu.dma_semaphore, #tpu.memory_space<semaphore_mem>>) src(%dma_wait3A_59 : memref<1000000xf32, #tpu.memory_space<hbm>>) dst(%arg13 : memref<512xf32, #tpu.memory_space<vmem>>)
    %dma_wait3A_60 = arith.constant 0 : i32
    %dma_wait3A_61 = arith.constant 0 : i32
    %dma_wait3A_62 = tpu.memref_slice %arg3[%dma_wait3A_60, %dma_wait3A_61] : memref<6x1000000xf32, #tpu.memory_space<hbm>> -> memref<1x1000000xf32, #tpu.memory_space<hbm>>
    %dma_wait3A_63 = tpu.memref_squeeze %dma_wait3A_62 : memref<1x1000000xf32, #tpu.memory_space<hbm>> -> memref<1000000xf32, #tpu.memory_space<hbm>>
    %dma_wait3A_64 = arith.constant 0 : i32
    %dma_wait3A_65 = tpu.memref_slice %dma_wait3A_63[%dma_wait3A_64] : memref<1000000xf32, #tpu.memory_space<hbm>> -> memref<1000000xf32, #tpu.memory_space<hbm>>
    tpu.wait_indirect_dma semaphore(%arg26 : memref<!tpu.dma_semaphore, #tpu.memory_space<semaphore_mem>>) src(%dma_wait3A_65 : memref<1000000xf32, #tpu.memory_space<hbm>>) dst(%arg14 : memref<512xf32, #tpu.memory_space<vmem>>)
    %dma_wait3A_66 = arith.constant 0 : i32
    %dma_wait3A_67 = arith.constant 0 : i32
    %dma_wait3A_68 = tpu.memref_slice %arg3[%dma_wait3A_66, %dma_wait3A_67] : memref<6x1000000xf32, #tpu.memory_space<hbm>> -> memref<1x1000000xf32, #tpu.memory_space<hbm>>
    %dma_wait3A_69 = tpu.memref_squeeze %dma_wait3A_68 : memref<1x1000000xf32, #tpu.memory_space<hbm>> -> memref<1000000xf32, #tpu.memory_space<hbm>>
    %dma_wait3A_70 = arith.constant 0 : i32
    %dma_wait3A_71 = tpu.memref_slice %dma_wait3A_69[%dma_wait3A_70] : memref<1000000xf32, #tpu.memory_space<hbm>> -> memref<1000000xf32, #tpu.memory_space<hbm>>
    tpu.wait_indirect_dma semaphore(%arg26 : memref<!tpu.dma_semaphore, #tpu.memory_space<semaphore_mem>>) src(%dma_wait3A_71 : memref<1000000xf32, #tpu.memory_space<hbm>>) dst(%arg15 : memref<512xf32, #tpu.memory_space<vmem>>)
    %dma_wait3A_72 = arith.constant 0 : i32
    %dma_wait3A_73 = arith.constant 0 : i32
    %dma_wait3A_74 = tpu.memref_slice %arg3[%dma_wait3A_72, %dma_wait3A_73] : memref<6x1000000xf32, #tpu.memory_space<hbm>> -> memref<1x1000000xf32, #tpu.memory_space<hbm>>
    %dma_wait3A_75 = tpu.memref_squeeze %dma_wait3A_74 : memref<1x1000000xf32, #tpu.memory_space<hbm>> -> memref<1000000xf32, #tpu.memory_space<hbm>>
    %dma_wait3A_76 = arith.constant 0 : i32
    %dma_wait3A_77 = tpu.memref_slice %dma_wait3A_75[%dma_wait3A_76] : memref<1000000xf32, #tpu.memory_space<hbm>> -> memref<1000000xf32, #tpu.memory_space<hbm>>
    tpu.wait_indirect_dma semaphore(%arg26 : memref<!tpu.dma_semaphore, #tpu.memory_space<semaphore_mem>>) src(%dma_wait3A_77 : memref<1000000xf32, #tpu.memory_space<hbm>>) dst(%arg16 : memref<512xf32, #tpu.memory_space<vmem>>)
    %scan3A_78 = arith.constant 0 : i32
    %scan3A_79 = arith.constant 0 : i32
    %scan3A_80 = arith.constant 32 : i32
    %scan3A_81 = arith.addi %scan3A_79, %scan3A_80 : i32
    %scan3A_82 = arith.constant 1 : i32
    scf.for %scan3A_84 = %scan3A_79 to %scan3A_81 step %scan3A_82  : i32 {
      %mul3A_85 = arith.constant 16 : i32
      %mul3A_86 = arith.muli %scan3A_84, %mul3A_85 : i32
      %get3A = arith.index_cast %mul3A_86 : i32 to index
      %get3A_87 = tpu.vector_load %arg11[%get3A] {strides = array<i32>} : memref<512xf32, #tpu.memory_space<vmem>>, vector<16xf32>,
      %get3A_88 = arith.index_cast %mul3A_86 : i32 to index
      %get3A_89 = tpu.vector_load %arg12[%get3A_88] {strides = array<i32>} : memref<512xf32, #tpu.memory_space<vmem>>, vector<16xf32>,
      %get3A_90 = arith.index_cast %mul3A_86 : i32 to index
      %get3A_91 = tpu.vector_load %arg13[%get3A_90] {strides = array<i32>} : memref<512xf32, #tpu.memory_space<vmem>>, vector<16xf32>,
      %get3A_92 = arith.index_cast %mul3A_86 : i32 to index
      %get3A_93 = tpu.vector_load %arg14[%get3A_92] {strides = array<i32>} : memref<512xf32, #tpu.memory_space<vmem>>, vector<16xf32>,
      %get3A_94 = arith.index_cast %mul3A_86 : i32 to index
      %get3A_95 = tpu.vector_load %arg15[%get3A_94] {strides = array<i32>} : memref<512xf32, #tpu.memory_space<vmem>>, vector<16xf32>,
      %get3A_96 = arith.index_cast %mul3A_86 : i32 to index
      %get3A_97 = tpu.vector_load %arg16[%get3A_96] {strides = array<i32>} : memref<512xf32, #tpu.memory_space<vmem>>, vector<16xf32>,
      %mul3A_98 = arith.mulf %get3A_87, %get3A_87 : vector<16xf32>
      %mul3A_99 = arith.mulf %get3A_89, %get3A_89 : vector<16xf32>
      %add3A_100 = arith.addf %mul3A_98, %mul3A_99 : vector<16xf32>
      %mul3A_101 = arith.mulf %get3A_91, %get3A_91 : vector<16xf32>
      %add3A_102 = arith.addf %add3A_100, %mul3A_101 : vector<16xf32>
      %bitcast3A = vector.bitcast %add3A_102 : vector<16xf32> to vector<16xi32>
      %shift_right_arithmetic3A = arith.constant 1 : i32
      %shift_right_arithmetic3A_103 = vector.broadcast %shift_right_arithmetic3A : i32 to vector<16xi32>
      %shift_right_arithmetic3A_104 = arith.shrsi %bitcast3A, %shift_right_arithmetic3A_103 : vector<16xi32>
      %sub3A = arith.constant 1597463007 : i32
      %sub3A_105 = vector.broadcast %sub3A : i32 to vector<16xi32>
      %sub3A_106 = arith.subi %sub3A_105, %shift_right_arithmetic3A_104 : vector<16xi32>
      %bitcast3A_107 = vector.bitcast %sub3A_106 : vector<16xi32> to vector<16xf32>
      %mul3A_108 = arith.constant 5.000000e-01 : f32
      %mul3A_109 = vector.broadcast %mul3A_108 : f32 to vector<16xf32>
      %mul3A_110 = arith.mulf %add3A_102, %mul3A_109 : vector<16xf32>
      %mul3A_111 = arith.mulf %mul3A_110, %bitcast3A_107 : vector<16xf32>
      %mul3A_112 = arith.mulf %mul3A_111, %bitcast3A_107 : vector<16xf32>
      %sub3A_113 = arith.constant 1.500000e+00 : f32
      %sub3A_114 = vector.broadcast %sub3A_113 : f32 to vector<16xf32>
      %sub3A_115 = arith.subf %sub3A_114, %mul3A_112 : vector<16xf32>
      %mul3A_116 = arith.mulf %bitcast3A_107, %sub3A_115 : vector<16xf32>
      %mul3A_117 = arith.mulf %mul3A_110, %mul3A_116 : vector<16xf32>
      %mul3A_118 = arith.mulf %mul3A_117, %mul3A_116 : vector<16xf32>
      %sub3A_119 = arith.constant 1.500000e+00 : f32
      %sub3A_120 = vector.broadcast %sub3A_119 : f32 to vector<16xf32>
      %sub3A_121 = arith.subf %sub3A_120, %mul3A_118 : vector<16xf32>
      %mul3A_122 = arith.mulf %mul3A_116, %sub3A_121 : vector<16xf32>
      %mul3A_123 = arith.mulf %mul3A_110, %mul3A_122 : vector<16xf32>
      %mul3A_124 = arith.mulf %mul3A_123, %mul3A_122 : vector<16xf32>
      %sub3A_125 = arith.constant 1.500000e+00 : f32
      %sub3A_126 = vector.broadcast %sub3A_125 : f32 to vector<16xf32>
      %sub3A_127 = arith.subf %sub3A_126, %mul3A_124 : vector<16xf32>
      %mul3A_128 = arith.mulf %mul3A_122, %sub3A_127 : vector<16xf32>
      %mul3A_129 = arith.mulf %get3A_87, %mul3A_128 : vector<16xf32>
      %mul3A_130 = arith.mulf %get3A_89, %mul3A_128 : vector<16xf32>
      %mul3A_131 = arith.mulf %get3A_91, %mul3A_128 : vector<16xf32>
      %mul3A_132 = arith.mulf %mul3A_129, %get3A_93 : vector<16xf32>
      %mul3A_133 = arith.mulf %mul3A_130, %get3A_95 : vector<16xf32>
      %add3A_134 = arith.addf %mul3A_132, %mul3A_133 : vector<16xf32>
      %mul3A_135 = arith.mulf %mul3A_131, %get3A_97 : vector<16xf32>
      %add3A_136 = arith.addf %add3A_134, %mul3A_135 : vector<16xf32>
      %mul3A_137 = arith.mulf %add3A_136, %mul3A_129 : vector<16xf32>
      %sub3A_138 = arith.subf %get3A_93, %mul3A_137 : vector<16xf32>
      %mul3A_139 = arith.mulf %add3A_136, %mul3A_130 : vector<16xf32>
      %sub3A_140 = arith.subf %get3A_95, %mul3A_139 : vector<16xf32>
      %mul3A_141 = arith.mulf %add3A_136, %mul3A_131 : vector<16xf32>
      %sub3A_142 = arith.subf %get3A_97, %mul3A_141 : vector<16xf32>
      %mul3A_143 = arith.mulf %sub3A_138, %sub3A_138 : vector<16xf32>
      %mul3A_144 = arith.mulf %sub3A_140, %sub3A_140 : vector<16xf32>
      %add3A_145 = arith.addf %mul3A_143, %mul3A_144 : vector<16xf32>
      %mul3A_146 = arith.mulf %sub3A_142, %sub3A_142 : vector<16xf32>
      %add3A_147 = arith.addf %add3A_145, %mul3A_146 : vector<16xf32>
      %bitcast3A_148 = vector.bitcast %add3A_147 : vector<16xf32> to vector<16xi32>
      %shift_right_arithmetic3A_149 = arith.constant 1 : i32
      %shift_right_arithmetic3A_150 = vector.broadcast %shift_right_arithmetic3A_149 : i32 to vector<16xi32>
      %shift_right_arithmetic3A_151 = arith.shrsi %bitcast3A_148, %shift_right_arithmetic3A_150 : vector<16xi32>
      %sub3A_152 = arith.constant 1597463007 : i32
      %sub3A_153 = vector.broadcast %sub3A_152 : i32 to vector<16xi32>
      %sub3A_154 = arith.subi %sub3A_153, %shift_right_arithmetic3A_151 : vector<16xi32>
      %bitcast3A_155 = vector.bitcast %sub3A_154 : vector<16xi32> to vector<16xf32>
      %mul3A_156 = arith.constant 5.000000e-01 : f32
      %mul3A_157 = vector.broadcast %mul3A_156 : f32 to vector<16xf32>
      %mul3A_158 = arith.mulf %add3A_147, %mul3A_157 : vector<16xf32>
      %mul3A_159 = arith.mulf %mul3A_158, %bitcast3A_155 : vector<16xf32>
      %mul3A_160 = arith.mulf %mul3A_159, %bitcast3A_155 : vector<16xf32>
      %sub3A_161 = arith.constant 1.500000e+00 : f32
      %sub3A_162 = vector.broadcast %sub3A_161 : f32 to vector<16xf32>
      %sub3A_163 = arith.subf %sub3A_162, %mul3A_160 : vector<16xf32>
      %mul3A_164 = arith.mulf %bitcast3A_155, %sub3A_163 : vector<16xf32>
      %mul3A_165 = arith.mulf %mul3A_158, %mul3A_164 : vector<16xf32>
      %mul3A_166 = arith.mulf %mul3A_165, %mul3A_164 : vector<16xf32>
      %sub3A_167 = arith.constant 1.500000e+00 : f32
      %sub3A_168 = vector.broadcast %sub3A_167 : f32 to vector<16xf32>
      %sub3A_169 = arith.subf %sub3A_168, %mul3A_166 : vector<16xf32>
      %mul3A_170 = arith.mulf %mul3A_164, %sub3A_169 : vector<16xf32>
      %mul3A_171 = arith.mulf %mul3A_158, %mul3A_170 : vector<16xf32>
      %mul3A_172 = arith.mulf %mul3A_171, %mul3A_170 : vector<16xf32>
      %sub3A_173 = arith.constant 1.500000e+00 : f32
      %sub3A_174 = vector.broadcast %sub3A_173 : f32 to vector<16xf32>
      %sub3A_175 = arith.subf %sub3A_174, %mul3A_172 : vector<16xf32>
      %mul3A_176 = arith.mulf %mul3A_170, %sub3A_175 : vector<16xf32>
      %mul3A_177 = arith.mulf %sub3A_138, %mul3A_176 : vector<16xf32>
      %mul3A_178 = arith.mulf %sub3A_140, %mul3A_176 : vector<16xf32>
      %mul3A_179 = arith.mulf %sub3A_142, %mul3A_176 : vector<16xf32>
      %mul3A_180 = arith.mulf %mul3A_130, %mul3A_179 : vector<16xf32>
      %mul3A_181 = arith.mulf %mul3A_131, %mul3A_178 : vector<16xf32>
      %sub3A_182 = arith.subf %mul3A_180, %mul3A_181 : vector<16xf32>
      %mul3A_183 = arith.mulf %mul3A_131, %mul3A_177 : vector<16xf32>
      %mul3A_184 = arith.mulf %mul3A_129, %mul3A_179 : vector<16xf32>
      %sub3A_185 = arith.subf %mul3A_183, %mul3A_184 : vector<16xf32>
      %mul3A_186 = arith.mulf %mul3A_129, %mul3A_178 : vector<16xf32>
      %mul3A_187 = arith.mulf %mul3A_130, %mul3A_177 : vector<16xf32>
      %sub3A_188 = arith.subf %mul3A_186, %mul3A_187 : vector<16xf32>
      %swap3A = arith.constant 0 : i32
      %swap3A_189 = arith.constant 0 : i32
      %swap3A_190 = arith.index_cast %swap3A : i32 to index
      %swap3A_191 = arith.index_cast %swap3A_189 : i32 to index
      %swap3A_192 = arith.index_cast %mul3A_86 : i32 to index
      %swap3A_193 = tpu.vector_load %arg17[%swap3A_190, %swap3A_191, %swap3A_192] {strides = array<i32>} : memref<1x1x512xf32, #tpu.memory_space<vmem>>, vector<16xf32>,
      tpu.vector_store %arg17[%swap3A_190, %swap3A_191, %swap3A_192], %mul3A_129 {strides = array<i32>} : memref<1x1x512xf32, #tpu.memory_space<vmem>>, vector<16xf32>,
      %swap3A_194 = arith.constant 0 : i32
      %swap3A_195 = arith.constant 0 : i32
      %swap3A_196 = arith.index_cast %swap3A_194 : i32 to index
      %swap3A_197 = arith.index_cast %swap3A_195 : i32 to index
      %swap3A_198 = arith.index_cast %mul3A_86 : i32 to index
      %swap3A_199 = tpu.vector_load %arg18[%swap3A_196, %swap3A_197, %swap3A_198] {strides = array<i32>} : memref<1x1x512xf32, #tpu.memory_space<vmem>>, vector<16xf32>,
      tpu.vector_store %arg18[%swap3A_196, %swap3A_197, %swap3A_198], %mul3A_130 {strides = array<i32>} : memref<1x1x512xf32, #tpu.memory_space<vmem>>, vector<16xf32>,
      %swap3A_200 = arith.constant 0 : i32
      %swap3A_201 = arith.constant 0 : i32
      %swap3A_202 = arith.index_cast %swap3A_200 : i32 to index
      %swap3A_203 = arith.index_cast %swap3A_201 : i32 to index
      %swap3A_204 = arith.index_cast %mul3A_86 : i32 to index
      %swap3A_205 = tpu.vector_load %arg19[%swap3A_202, %swap3A_203, %swap3A_204] {strides = array<i32>} : memref<1x1x512xf32, #tpu.memory_space<vmem>>, vector<16xf32>,
      tpu.vector_store %arg19[%swap3A_202, %swap3A_203, %swap3A_204], %mul3A_131 {strides = array<i32>} : memref<1x1x512xf32, #tpu.memory_space<vmem>>, vector<16xf32>,
      %swap3A_206 = arith.constant 0 : i32
      %swap3A_207 = arith.constant 0 : i32
      %swap3A_208 = arith.index_cast %swap3A_206 : i32 to index
      %swap3A_209 = arith.index_cast %swap3A_207 : i32 to index
      %swap3A_210 = arith.index_cast %mul3A_86 : i32 to index
      %swap3A_211 = tpu.vector_load %arg20[%swap3A_208, %swap3A_209, %swap3A_210] {strides = array<i32>} : memref<1x1x512xf32, #tpu.memory_space<vmem>>, vector<16xf32>,
      tpu.vector_store %arg20[%swap3A_208, %swap3A_209, %swap3A_210], %mul3A_177 {strides = array<i32>} : memref<1x1x512xf32, #tpu.memory_space<vmem>>, vector<16xf32>,
      %swap3A_212 = arith.constant 0 : i32
      %swap3A_213 = arith.constant 0 : i32
      %swap3A_214 = arith.index_cast %swap3A_212 : i32 to index
      %swap3A_215 = arith.index_cast %swap3A_213 : i32 to index
      %swap3A_216 = arith.index_cast %mul3A_86 : i32 to index
      %swap3A_217 = tpu.vector_load %arg21[%swap3A_214, %swap3A_215, %swap3A_216] {strides = array<i32>} : memref<1x1x512xf32, #tpu.memory_space<vmem>>, vector<16xf32>,
      tpu.vector_store %arg21[%swap3A_214, %swap3A_215, %swap3A_216], %mul3A_178 {strides = array<i32>} : memref<1x1x512xf32, #tpu.memory_space<vmem>>, vector<16xf32>,
      %swap3A_218 = arith.constant 0 : i32
      %swap3A_219 = arith.constant 0 : i32
      %swap3A_220 = arith.index_cast %swap3A_218 : i32 to index
      %swap3A_221 = arith.index_cast %swap3A_219 : i32 to index
      %swap3A_222 = arith.index_cast %mul3A_86 : i32 to index
      %swap3A_223 = tpu.vector_load %arg22[%swap3A_220, %swap3A_221, %swap3A_222] {strides = array<i32>} : memref<1x1x512xf32, #tpu.memory_space<vmem>>, vector<16xf32>,
      tpu.vector_store %arg22[%swap3A_220, %swap3A_221, %swap3A_222], %mul3A_179 {strides = array<i32>} : memref<1x1x512xf32, #tpu.memory_space<vmem>>, vector<16xf32>,
      %swap3A_224 = arith.constant 0 : i32
      %swap3A_225 = arith.constant 0 : i32
      %swap3A_226 = arith.index_cast %swap3A_224 : i32 to index
      %swap3A_227 = arith.index_cast %swap3A_225 : i32 to index
      %swap3A_228 = arith.index_cast %mul3A_86 : i32 to index
      %swap3A_229 = tpu.vector_load %arg23[%swap3A_226, %swap3A_227, %swap3A_228] {strides = array<i32>} : memref<1x1x512xf32, #tpu.memory_space<vmem>>, vector<16xf32>,
      tpu.vector_store %arg23[%swap3A_226, %swap3A_227, %swap3A_228], %sub3A_182 {strides = array<i32>} : memref<1x1x512xf32, #tpu.memory_space<vmem>>, vector<16xf32>,
      %swap3A_230 = arith.constant 0 : i32
      %swap3A_231 = arith.constant 0 : i32
      %swap3A_232 = arith.index_cast %swap3A_230 : i32 to index
      %swap3A_233 = arith.index_cast %swap3A_231 : i32 to index
      %swap3A_234 = arith.index_cast %mul3A_86 : i32 to index
      %swap3A_235 = tpu.vector_load %arg24[%swap3A_232, %swap3A_233, %swap3A_234] {strides = array<i32>} : memref<1x1x512xf32, #tpu.memory_space<vmem>>, vector<16xf32>,
      tpu.vector_store %arg24[%swap3A_232, %swap3A_233, %swap3A_234], %sub3A_185 {strides = array<i32>} : memref<1x1x512xf32, #tpu.memory_space<vmem>>, vector<16xf32>,
      %swap3A_236 = arith.constant 0 : i32
      %swap3A_237 = arith.constant 0 : i32
      %swap3A_238 = arith.index_cast %swap3A_236 : i32 to index
      %swap3A_239 = arith.index_cast %swap3A_237 : i32 to index
      %swap3A_240 = arith.index_cast %mul3A_86 : i32 to index
      %swap3A_241 = tpu.vector_load %arg25[%swap3A_238, %swap3A_239, %swap3A_240] {strides = array<i32>} : memref<1x1x512xf32, #tpu.memory_space<vmem>>, vector<16xf32>,
      tpu.vector_store %arg25[%swap3A_238, %swap3A_239, %swap3A_240], %sub3A_188 {strides = array<i32>} : memref<1x1x512xf32, #tpu.memory_space<vmem>>, vector<16xf32>,
    }
    %scan3A_83 = arith.constant 32 : i32
    "tpu.region"() ({
      %run_scoped3A = tpu.sem_alloc : memref<!tpu.dma_semaphore, #tpu.memory_space<semaphore_mem>>
      %dma_start3A_84 = arith.constant 0 : i32
      %dma_start3A_85 = arith.constant 0 : i32
      %dma_start3A_86 = tpu.memref_slice %arg4[%dma_start3A_84, %dma_start3A_85, %mul3A_2] : memref<3x3x16384xf32, #tpu.memory_space<hbm>> -> memref<1x1x512xf32, #tpu.memory_space<hbm>>
      %dma_start3A_87 = arith.constant 0 : i32
      %dma_start3A_88 = arith.constant 0 : i32
      %dma_start3A_89 = tpu.memref_slice %arg4[%dma_start3A_87, %dma_start3A_88, %mul3A_2] : memref<3x3x16384xf32, #tpu.memory_space<hbm>> -> memref<1x1x512xf32, #tpu.memory_space<hbm>>
      tpu.enqueue_dma source(%arg17 : memref<1x1x512xf32, #tpu.memory_space<vmem>>) target(%dma_start3A_89 : memref<1x1x512xf32, #tpu.memory_space<hbm>>) target_semaphore(%run_scoped3A : memref<!tpu.dma_semaphore, #tpu.memory_space<semaphore_mem>>)
      %dma_wait3A_90 = arith.constant 0 : i32
      %dma_wait3A_91 = arith.constant 0 : i32
      %dma_wait3A_92 = tpu.memref_slice %arg4[%dma_wait3A_90, %dma_wait3A_91, %mul3A_2] : memref<3x3x16384xf32, #tpu.memory_space<hbm>> -> memref<1x1x512xf32, #tpu.memory_space<hbm>>
      %dma_wait3A_93 = arith.constant 0 : i32
      %dma_wait3A_94 = arith.constant 0 : i32
      %dma_wait3A_95 = tpu.memref_slice %arg4[%dma_wait3A_93, %dma_wait3A_94, %mul3A_2] : memref<3x3x16384xf32, #tpu.memory_space<hbm>> -> memref<1x1x512xf32, #tpu.memory_space<hbm>>
      tpu.wait_dma2 semaphore(%run_scoped3A : memref<!tpu.dma_semaphore, #tpu.memory_space<semaphore_mem>>) src(%arg17 : memref<1x1x512xf32, #tpu.memory_space<vmem>>) dst(%dma_wait3A_95 : memref<1x1x512xf32, #tpu.memory_space<hbm>>)
      tpu.yield
    }) : () -> ()
    "tpu.region"() ({
      %run_scoped3A = tpu.sem_alloc : memref<!tpu.dma_semaphore, #tpu.memory_space<semaphore_mem>>
      %dma_start3A_84 = arith.constant 0 : i32
      %dma_start3A_85 = arith.constant 1 : i32
      %dma_start3A_86 = tpu.memref_slice %arg4[%dma_start3A_84, %dma_start3A_85, %mul3A_2] : memref<3x3x16384xf32, #tpu.memory_space<hbm>> -> memref<1x1x512xf32, #tpu.memory_space<hbm>>
      %dma_start3A_87 = arith.constant 0 : i32
      %dma_start3A_88 = arith.constant 1 : i32
      %dma_start3A_89 = tpu.memref_slice %arg4[%dma_start3A_87, %dma_start3A_88, %mul3A_2] : memref<3x3x16384xf32, #tpu.memory_space<hbm>> -> memref<1x1x512xf32, #tpu.memory_space<hbm>>
      tpu.enqueue_dma source(%arg18 : memref<1x1x512xf32, #tpu.memory_space<vmem>>) target(%dma_start3A_89 : memref<1x1x512xf32, #tpu.memory_space<hbm>>) target_semaphore(%run_scoped3A : memref<!tpu.dma_semaphore, #tpu.memory_space<semaphore_mem>>)
      %dma_wait3A_90 = arith.constant 0 : i32
      %dma_wait3A_91 = arith.constant 1 : i32
      %dma_wait3A_92 = tpu.memref_slice %arg4[%dma_wait3A_90, %dma_wait3A_91, %mul3A_2] : memref<3x3x16384xf32, #tpu.memory_space<hbm>> -> memref<1x1x512xf32, #tpu.memory_space<hbm>>
      %dma_wait3A_93 = arith.constant 0 : i32
      %dma_wait3A_94 = arith.constant 1 : i32
      %dma_wait3A_95 = tpu.memref_slice %arg4[%dma_wait3A_93, %dma_wait3A_94, %mul3A_2] : memref<3x3x16384xf32, #tpu.memory_space<hbm>> -> memref<1x1x512xf32, #tpu.memory_space<hbm>>
      tpu.wait_dma2 semaphore(%run_scoped3A : memref<!tpu.dma_semaphore, #tpu.memory_space<semaphore_mem>>) src(%arg18 : memref<1x1x512xf32, #tpu.memory_space<vmem>>) dst(%dma_wait3A_95 : memref<1x1x512xf32, #tpu.memory_space<hbm>>)
      tpu.yield
    }) : () -> ()
    "tpu.region"() ({
      %run_scoped3A = tpu.sem_alloc : memref<!tpu.dma_semaphore, #tpu.memory_space<semaphore_mem>>
      %dma_start3A_84 = arith.constant 0 : i32
      %dma_start3A_85 = arith.constant 2 : i32
      %dma_start3A_86 = tpu.memref_slice %arg4[%dma_start3A_84, %dma_start3A_85, %mul3A_2] : memref<3x3x16384xf32, #tpu.memory_space<hbm>> -> memref<1x1x512xf32, #tpu.memory_space<hbm>>
      %dma_start3A_87 = arith.constant 0 : i32
      %dma_start3A_88 = arith.constant 2 : i32
      %dma_start3A_89 = tpu.memref_slice %arg4[%dma_start3A_87, %dma_start3A_88, %mul3A_2] : memref<3x3x16384xf32, #tpu.memory_space<hbm>> -> memref<1x1x512xf32, #tpu.memory_space<hbm>>
      tpu.enqueue_dma source(%arg19 : memref<1x1x512xf32, #tpu.memory_space<vmem>>) target(%dma_start3A_89 : memref<1x1x512xf32, #tpu.memory_space<hbm>>) target_semaphore(%run_scoped3A : memref<!tpu.dma_semaphore, #tpu.memory_space<semaphore_mem>>)
      %dma_wait3A_90 = arith.constant 0 : i32
      %dma_wait3A_91 = arith.constant 2 : i32
      %dma_wait3A_92 = tpu.memref_slice %arg4[%dma_wait3A_90, %dma_wait3A_91, %mul3A_2] : memref<3x3x16384xf32, #tpu.memory_space<hbm>> -> memref<1x1x512xf32, #tpu.memory_space<hbm>>
      %dma_wait3A_93 = arith.constant 0 : i32
      %dma_wait3A_94 = arith.constant 2 : i32
      %dma_wait3A_95 = tpu.memref_slice %arg4[%dma_wait3A_93, %dma_wait3A_94, %mul3A_2] : memref<3x3x16384xf32, #tpu.memory_space<hbm>> -> memref<1x1x512xf32, #tpu.memory_space<hbm>>
      tpu.wait_dma2 semaphore(%run_scoped3A : memref<!tpu.dma_semaphore, #tpu.memory_space<semaphore_mem>>) src(%arg19 : memref<1x1x512xf32, #tpu.memory_space<vmem>>) dst(%dma_wait3A_95 : memref<1x1x512xf32, #tpu.memory_space<hbm>>)
      tpu.yield
    }) : () -> ()
    "tpu.region"() ({
      %run_scoped3A = tpu.sem_alloc : memref<!tpu.dma_semaphore, #tpu.memory_space<semaphore_mem>>
      %dma_start3A_84 = arith.constant 1 : i32
      %dma_start3A_85 = arith.constant 0 : i32
      %dma_start3A_86 = tpu.memref_slice %arg4[%dma_start3A_84, %dma_start3A_85, %mul3A_2] : memref<3x3x16384xf32, #tpu.memory_space<hbm>> -> memref<1x1x512xf32, #tpu.memory_space<hbm>>
      %dma_start3A_87 = arith.constant 1 : i32
      %dma_start3A_88 = arith.constant 0 : i32
      %dma_start3A_89 = tpu.memref_slice %arg4[%dma_start3A_87, %dma_start3A_88, %mul3A_2] : memref<3x3x16384xf32, #tpu.memory_space<hbm>> -> memref<1x1x512xf32, #tpu.memory_space<hbm>>
      tpu.enqueue_dma source(%arg20 : memref<1x1x512xf32, #tpu.memory_space<vmem>>) target(%dma_start3A_89 : memref<1x1x512xf32, #tpu.memory_space<hbm>>) target_semaphore(%run_scoped3A : memref<!tpu.dma_semaphore, #tpu.memory_space<semaphore_mem>>)
      %dma_wait3A_90 = arith.constant 1 : i32
      %dma_wait3A_91 = arith.constant 0 : i32
      %dma_wait3A_92 = tpu.memref_slice %arg4[%dma_wait3A_90, %dma_wait3A_91, %mul3A_2] : memref<3x3x16384xf32, #tpu.memory_space<hbm>> -> memref<1x1x512xf32, #tpu.memory_space<hbm>>
      %dma_wait3A_93 = arith.constant 1 : i32
      %dma_wait3A_94 = arith.constant 0 : i32
      %dma_wait3A_95 = tpu.memref_slice %arg4[%dma_wait3A_93, %dma_wait3A_94, %mul3A_2] : memref<3x3x16384xf32, #tpu.memory_space<hbm>> -> memref<1x1x512xf32, #tpu.memory_space<hbm>>
      tpu.wait_dma2 semaphore(%run_scoped3A : memref<!tpu.dma_semaphore, #tpu.memory_space<semaphore_mem>>) src(%arg20 : memref<1x1x512xf32, #tpu.memory_space<vmem>>) dst(%dma_wait3A_95 : memref<1x1x512xf32, #tpu.memory_space<hbm>>)
      tpu.yield
    }) : () -> ()
    "tpu.region"() ({
      %run_scoped3A = tpu.sem_alloc : memref<!tpu.dma_semaphore, #tpu.memory_space<semaphore_mem>>
      %dma_start3A_84 = arith.constant 1 : i32
      %dma_start3A_85 = arith.constant 1 : i32
      %dma_start3A_86 = tpu.memref_slice %arg4[%dma_start3A_84, %dma_start3A_85, %mul3A_2] : memref<3x3x16384xf32, #tpu.memory_space<hbm>> -> memref<1x1x512xf32, #tpu.memory_space<hbm>>
      %dma_start3A_87 = arith.constant 1 : i32
      %dma_start3A_88 = arith.constant 1 : i32
      %dma_start3A_89 = tpu.memref_slice %arg4[%dma_start3A_87, %dma_start3A_88, %mul3A_2] : memref<3x3x16384xf32, #tpu.memory_space<hbm>> -> memref<1x1x512xf32, #tpu.memory_space<hbm>>
      tpu.enqueue_dma source(%arg21 : memref<1x1x512xf32, #tpu.memory_space<vmem>>) target(%dma_start3A_89 : memref<1x1x512xf32, #tpu.memory_space<hbm>>) target_semaphore(%run_scoped3A : memref<!tpu.dma_semaphore, #tpu.memory_space<semaphore_mem>>)
      %dma_wait3A_90 = arith.constant 1 : i32
      %dma_wait3A_91 = arith.constant 1 : i32
      %dma_wait3A_92 = tpu.memref_slice %arg4[%dma_wait3A_90, %dma_wait3A_91, %mul3A_2] : memref<3x3x16384xf32, #tpu.memory_space<hbm>> -> memref<1x1x512xf32, #tpu.memory_space<hbm>>
      %dma_wait3A_93 = arith.constant 1 : i32
      %dma_wait3A_94 = arith.constant 1 : i32
      %dma_wait3A_95 = tpu.memref_slice %arg4[%dma_wait3A_93, %dma_wait3A_94, %mul3A_2] : memref<3x3x16384xf32, #tpu.memory_space<hbm>> -> memref<1x1x512xf32, #tpu.memory_space<hbm>>
      tpu.wait_dma2 semaphore(%run_scoped3A : memref<!tpu.dma_semaphore, #tpu.memory_space<semaphore_mem>>) src(%arg21 : memref<1x1x512xf32, #tpu.memory_space<vmem>>) dst(%dma_wait3A_95 : memref<1x1x512xf32, #tpu.memory_space<hbm>>)
      tpu.yield
    }) : () -> ()
    "tpu.region"() ({
      %run_scoped3A = tpu.sem_alloc : memref<!tpu.dma_semaphore, #tpu.memory_space<semaphore_mem>>
      %dma_start3A_84 = arith.constant 1 : i32
      %dma_start3A_85 = arith.constant 2 : i32
      %dma_start3A_86 = tpu.memref_slice %arg4[%dma_start3A_84, %dma_start3A_85, %mul3A_2] : memref<3x3x16384xf32, #tpu.memory_space<hbm>> -> memref<1x1x512xf32, #tpu.memory_space<hbm>>
      %dma_start3A_87 = arith.constant 1 : i32
      %dma_start3A_88 = arith.constant 2 : i32
      %dma_start3A_89 = tpu.memref_slice %arg4[%dma_start3A_87, %dma_start3A_88, %mul3A_2] : memref<3x3x16384xf32, #tpu.memory_space<hbm>> -> memref<1x1x512xf32, #tpu.memory_space<hbm>>
      tpu.enqueue_dma source(%arg22 : memref<1x1x512xf32, #tpu.memory_space<vmem>>) target(%dma_start3A_89 : memref<1x1x512xf32, #tpu.memory_space<hbm>>) target_semaphore(%run_scoped3A : memref<!tpu.dma_semaphore, #tpu.memory_space<semaphore_mem>>)
      %dma_wait3A_90 = arith.constant 1 : i32
      %dma_wait3A_91 = arith.constant 2 : i32
      %dma_wait3A_92 = tpu.memref_slice %arg4[%dma_wait3A_90, %dma_wait3A_91, %mul3A_2] : memref<3x3x16384xf32, #tpu.memory_space<hbm>> -> memref<1x1x512xf32, #tpu.memory_space<hbm>>
      %dma_wait3A_93 = arith.constant 1 : i32
      %dma_wait3A_94 = arith.constant 2 : i32
      %dma_wait3A_95 = tpu.memref_slice %arg4[%dma_wait3A_93, %dma_wait3A_94, %mul3A_2] : memref<3x3x16384xf32, #tpu.memory_space<hbm>> -> memref<1x1x512xf32, #tpu.memory_space<hbm>>
      tpu.wait_dma2 semaphore(%run_scoped3A : memref<!tpu.dma_semaphore, #tpu.memory_space<semaphore_mem>>) src(%arg22 : memref<1x1x512xf32, #tpu.memory_space<vmem>>) dst(%dma_wait3A_95 : memref<1x1x512xf32, #tpu.memory_space<hbm>>)
      tpu.yield
    }) : () -> ()
    "tpu.region"() ({
      %run_scoped3A = tpu.sem_alloc : memref<!tpu.dma_semaphore, #tpu.memory_space<semaphore_mem>>
      %dma_start3A_84 = arith.constant 2 : i32
      %dma_start3A_85 = arith.constant 0 : i32
      %dma_start3A_86 = tpu.memref_slice %arg4[%dma_start3A_84, %dma_start3A_85, %mul3A_2] : memref<3x3x16384xf32, #tpu.memory_space<hbm>> -> memref<1x1x512xf32, #tpu.memory_space<hbm>>
      %dma_start3A_87 = arith.constant 2 : i32
      %dma_start3A_88 = arith.constant 0 : i32
      %dma_start3A_89 = tpu.memref_slice %arg4[%dma_start3A_87, %dma_start3A_88, %mul3A_2] : memref<3x3x16384xf32, #tpu.memory_space<hbm>> -> memref<1x1x512xf32, #tpu.memory_space<hbm>>
      tpu.enqueue_dma source(%arg23 : memref<1x1x512xf32, #tpu.memory_space<vmem>>) target(%dma_start3A_89 : memref<1x1x512xf32, #tpu.memory_space<hbm>>) target_semaphore(%run_scoped3A : memref<!tpu.dma_semaphore, #tpu.memory_space<semaphore_mem>>)
      %dma_wait3A_90 = arith.constant 2 : i32
      %dma_wait3A_91 = arith.constant 0 : i32
      %dma_wait3A_92 = tpu.memref_slice %arg4[%dma_wait3A_90, %dma_wait3A_91, %mul3A_2] : memref<3x3x16384xf32, #tpu.memory_space<hbm>> -> memref<1x1x512xf32, #tpu.memory_space<hbm>>
      %dma_wait3A_93 = arith.constant 2 : i32
      %dma_wait3A_94 = arith.constant 0 : i32
      %dma_wait3A_95 = tpu.memref_slice %arg4[%dma_wait3A_93, %dma_wait3A_94, %mul3A_2] : memref<3x3x16384xf32, #tpu.memory_space<hbm>> -> memref<1x1x512xf32, #tpu.memory_space<hbm>>
      tpu.wait_dma2 semaphore(%run_scoped3A : memref<!tpu.dma_semaphore, #tpu.memory_space<semaphore_mem>>) src(%arg23 : memref<1x1x512xf32, #tpu.memory_space<vmem>>) dst(%dma_wait3A_95 : memref<1x1x512xf32, #tpu.memory_space<hbm>>)
      tpu.yield
    }) : () -> ()
    "tpu.region"() ({
      %run_scoped3A = tpu.sem_alloc : memref<!tpu.dma_semaphore, #tpu.memory_space<semaphore_mem>>
      %dma_start3A_84 = arith.constant 2 : i32
      %dma_start3A_85 = arith.constant 1 : i32
      %dma_start3A_86 = tpu.memref_slice %arg4[%dma_start3A_84, %dma_start3A_85, %mul3A_2] : memref<3x3x16384xf32, #tpu.memory_space<hbm>> -> memref<1x1x512xf32, #tpu.memory_space<hbm>>
      %dma_start3A_87 = arith.constant 2 : i32
      %dma_start3A_88 = arith.constant 1 : i32
      %dma_start3A_89 = tpu.memref_slice %arg4[%dma_start3A_87, %dma_start3A_88, %mul3A_2] : memref<3x3x16384xf32, #tpu.memory_space<hbm>> -> memref<1x1x512xf32, #tpu.memory_space<hbm>>
      tpu.enqueue_dma source(%arg24 : memref<1x1x512xf32, #tpu.memory_space<vmem>>) target(%dma_start3A_89 : memref<1x1x512xf32, #tpu.memory_space<hbm>>) target_semaphore(%run_scoped3A : memref<!tpu.dma_semaphore, #tpu.memory_space<semaphore_mem>>)
      %dma_wait3A_90 = arith.constant 2 : i32
      %dma_wait3A_91 = arith.constant 1 : i32
      %dma_wait3A_92 = tpu.memref_slice %arg4[%dma_wait3A_90, %dma_wait3A_91, %mul3A_2] : memref<3x3x16384xf32, #tpu.memory_space<hbm>> -> memref<1x1x512xf32, #tpu.memory_space<hbm>>
      %dma_wait3A_93 = arith.constant 2 : i32
      %dma_wait3A_94 = arith.constant 1 : i32
      %dma_wait3A_95 = tpu.memref_slice %arg4[%dma_wait3A_93, %dma_wait3A_94, %mul3A_2] : memref<3x3x16384xf32, #tpu.memory_space<hbm>> -> memref<1x1x512xf32, #tpu.memory_space<hbm>>
      tpu.wait_dma2 semaphore(%run_scoped3A : memref<!tpu.dma_semaphore, #tpu.memory_space<semaphore_mem>>) src(%arg24 : memref<1x1x512xf32, #tpu.memory_space<vmem>>) dst(%dma_wait3A_95 : memref<1x1x512xf32, #tpu.memory_space<hbm>>)
      tpu.yield
    }) : () -> ()
    "tpu.region"() ({
      %run_scoped3A = tpu.sem_alloc : memref<!tpu.dma_semaphore, #tpu.memory_space<semaphore_mem>>
      %dma_start3A_84 = arith.constant 2 : i32
      %dma_start3A_85 = arith.constant 2 : i32
      %dma_start3A_86 = tpu.memref_slice %arg4[%dma_start3A_84, %dma_start3A_85, %mul3A_2] : memref<3x3x16384xf32, #tpu.memory_space<hbm>> -> memref<1x1x512xf32, #tpu.memory_space<hbm>>
      %dma_start3A_87 = arith.constant 2 : i32
      %dma_start3A_88 = arith.constant 2 : i32
      %dma_start3A_89 = tpu.memref_slice %arg4[%dma_start3A_87, %dma_start3A_88, %mul3A_2] : memref<3x3x16384xf32, #tpu.memory_space<hbm>> -> memref<1x1x512xf32, #tpu.memory_space<hbm>>
      tpu.enqueue_dma source(%arg25 : memref<1x1x512xf32, #tpu.memory_space<vmem>>) target(%dma_start3A_89 : memref<1x1x512xf32, #tpu.memory_space<hbm>>) target_semaphore(%run_scoped3A : memref<!tpu.dma_semaphore, #tpu.memory_space<semaphore_mem>>)
      %dma_wait3A_90 = arith.constant 2 : i32
      %dma_wait3A_91 = arith.constant 2 : i32
      %dma_wait3A_92 = tpu.memref_slice %arg4[%dma_wait3A_90, %dma_wait3A_91, %mul3A_2] : memref<3x3x16384xf32, #tpu.memory_space<hbm>> -> memref<1x1x512xf32, #tpu.memory_space<hbm>>
      %dma_wait3A_93 = arith.constant 2 : i32
      %dma_wait3A_94 = arith.constant 2 : i32
      %dma_wait3A_95 = tpu.memref_slice %arg4[%dma_wait3A_93, %dma_wait3A_94, %mul3A_2] : memref<3x3x16384xf32, #tpu.memory_space<hbm>> -> memref<1x1x512xf32, #tpu.memory_space<hbm>>
      tpu.wait_dma2 semaphore(%run_scoped3A : memref<!tpu.dma_semaphore, #tpu.memory_space<semaphore_mem>>) src(%arg25 : memref<1x1x512xf32, #tpu.memory_space<vmem>>) dst(%dma_wait3A_95 : memref<1x1x512xf32, #tpu.memory_space<hbm>>)
      tpu.yield
    }) : () -> ()
    return
  }
}

</mosaic_0001>

<sc_bundles>
// kernel: kernel.3.cloned.1.call-start
scs
__scs_entry_jumppad:
0x0: {  	(pc) =	sbr.rel $0x88, $3  }
0x1: {  	(tag) =	ssettag $0x0;
	lr =	simm.s32 $0x1  }
0x2: {  	[smem:$0x3F9F] =	sst lr;
	_ =	strace $0xD0000000  }
0x3: {  	_ = 	snop  }
0x4: {  	_ = 	snop  }
0x5: {  	_ = 	snop  }
0x6: {  	_ = 	snop  }
0x7: {  	_ = 	snop  }
__scs_overlays_trampoline_lowered:
0x8: {  	[smem:$0x3FAE] =	sst s0  }
0x9: {  	[smem:$0x3FAF] =	sst s1  }
0xa: {  	[smem:$0x3FB0] =	sst s2  }
0xb: {  	[smem:$0x3FB1] =	sst s3  }
0xc: {  	[smem:$0x3FB2] =	sst s4  }
0xd: {  	[smem:$0x3FB3] =	sst s5  }
0xe: {  	[smem:$0x3FB4] =	sst s6  }
0xf: {  	[smem:$0x3FB5] =	sst s7  }
0x10: {  	[smem:$0x3FB6] =	sst s8  }
0x11: {  	[smem:$0x3FB7] =	sst s9;
	s0 =	simm.s32 @!p0 $0x0  }
0x12: {  	s1 =	sld [smem:$0x3F9D];
	s0 =	simm.s32 @p0 $0x1  }
0x13: {  	[smem:$0x3FB8] =	sst s0;
	s0 =	simm.s32 @!p1 $0x0  }
0x14: {  	s2 =	sld [smem:$0x3F9C];
	s0 =	simm.s32 @p1 $0x1  }
0x15: {  	[smem:$0x3FB9] =	sst s0;
	s0 =	simm.s32 @!p2 $0x0  }
0x16: {  	s3 =	sld [smem:$0x3FDB];
	s0 =	simm.s32 @p2 $0x1  }
0x17: {  	s4 =	simm.s32 $0x1BF5;
	[smem:$0x3FBB] =	sst s0  }
0x18: {  	s0 =	sld [smem:$0x3F9E];
	_ =	swait.ge [sflag:s4], $0x0  }
0x19: {  	s7 =	sld [smem:$0x3F9F]  }
0x1a: {  	s8 =	sadd.s32 $0xFFFFE003, lr  }
0x1b: {  	s9 =	sadd.s32 $0xFFFFFEF7, lr;
	s5 =	simm.s32 $0xFFFFFFFF;
	p2 =	slt.u32 s8, $0xFFFFF086  }
0x1c: {  	p1 =	slt.u32 s9, $0xF7A;
	s5 =	simm.s32 @!p2 $0x0  }
0x1d: {  	s5 =	simm.s32 @p1 $0x1;
	p0 =	seq.s32 s7, s2  }
0x1e: {  	s7 =	smul.u32 @!p0 $0xF7A, s2;
	p2 =	seq.s32 @!p0 s5, $0x0  }
0x1f: {  	s9 =	smul.u32 $0xF7A, s1;
	s8 =	simm.s32 @!p0 $0x1BF5;
	p2 =	por !p2, p0  }
0x20: {  	[sflag:s8] =	ssyncset.s32 @!p0 $0xFFFFF086;
	s6 =	sadd.s32 @!p0 s3, s7;
	s7 =	simm.s32 @!p0 $0x108  }
0x21: {  	s3 =	sadd.s32 s3, s9;
	s6 =	sadd.s32 @!p0 $0x88, s6;
	s7 =	simm.s32 @p2 $0x1082  }
0x22: {  	[simem:s7], [sflag:s8] =	dma.local @!p0 [hbm:s6], $0xF7A  }
0x23: {  	s9 =	sor.u32 $0xD0000000, s2;
	s6 =	simm.s32 $0x108;
	_ =	swait.ge @!p0 [sflag:s8], $0x0  }
0x24: {  	s3 =	sadd.s32 $0x88, s3;
	s6 =	simm.s32 @!p1 $0x1082;
	[sflag:s4] =	ssyncset.s32 $0xFFFFF086  }
0x25: {  	[simem:s6], [sflag:s4] =	dma.local [hbm:s3], $0xF7A  }
0x26: {  	[smem:$0x3F9F] =	sst s1;
	(tag) =	ssettag s2;
	_ =	strace s9  }
0x27: {  	s1 =	sld [smem:$0x3FAF]  }
0x28: {  	s2 =	sld [smem:$0x3FB0]  }
0x29: {  	s4 =	sld [smem:$0x3FB2]  }
0x2a: {  	p0 =	seq.s32 s5, $0x0;
	s5 =	sld [smem:$0x3FB3]  }
0x2b: {  	s6 =	sld [smem:$0x3FB4]  }
0x2c: {  	s7 =	sld [smem:$0x3FB5]  }
0x2d: {  	s3 =	simm.s32 $0x108;
	s8 =	sld [smem:$0x3FB6]  }
0x2e: {  	s3 =	simm.s32 @!p0 $0x1082;
	s9 =	sld [smem:$0x3FB7]  }
0x2f: {  	lr =	sadd.s32 s0, s3;
	s0 =	sld [smem:$0x3FAE]  }
0x30: {  	s3 =	sld [smem:$0x3FB1]  }
0x31: {  	[smem:$0x3FBA] =	sst s10  }
0x32: {  	s10 =	sld [smem:$0x3FB8];
	_ =	sdelay $0x3  }
0x33: {  	p0 =	seq.s32 s10, $0x1;
	s10 =	sld [smem:$0x3FBA];
	_ =	sdelay $0x3  }
0x34: {  	[smem:$0x3FBA] =	sst s10  }
0x35: {  	s10 =	sld [smem:$0x3FB9];
	_ =	sdelay $0x3  }
0x36: {  	p1 =	seq.s32 s10, $0x1;
	s10 =	sld [smem:$0x3FBA];
	_ =	sdelay $0x3  }
0x37: {  	[smem:$0x3FBA] =	sst s10  }
0x38: {  	s10 =	sld [smem:$0x3FBB]  }
0x39: {  	_ = 	snop;
	(pc) =	sbr.ind lr, $3  }
0x3a: {  	_ = 	snop  }
0x3b: {  	_ = 	snop  }
0x3c: {  	p2 =	seq.s32 s10, $0x1;
	s10 =	sld [smem:$0x3FBA]  }
0x3d: {  	_ =	shalt  }
0x3e: {  	_ =	shalt  }
0x3f: {  	_ =	shalt  }
0x40: {  	_ =	shalt  }
0x41: {  	_ =	shalt  }
0x42: {  	_ =	shalt  }
0x43: {  	_ =	shalt  }
0x44: {  	_ =	shalt  }
0x45: {  	_ =	shalt  }
0x46: {  	_ =	shalt  }
0x47: {  	_ =	shalt  }
0x48: {  	_ =	shalt  }
0x49: {  	_ =	shalt  }
0x4a: {  	_ =	shalt  }
0x4b: {  	_ =	shalt  }
0x4c: {  	_ =	shalt  }
0x4d: {  	_ =	shalt  }
0x4e: {  	_ =	shalt  }
0x4f: {  	_ =	shalt  }
0x50: {  	_ =	shalt  }
0x51: {  	_ =	shalt  }
0x52: {  	_ =	shalt  }
0x53: {  	_ =	shalt  }
0x54: {  	_ =	shalt  }
0x55: {  	_ =	shalt  }
0x56: {  	_ =	shalt  }
0x57: {  	_ =	shalt  }
0x58: {  	_ =	shalt  }
0x59: {  	_ =	shalt  }
0x5a: {  	_ =	shalt  }
0x5b: {  	_ =	shalt  }
0x5c: {  	_ =	shalt  }
0x5d: {  	_ =	shalt  }
0x5e: {  	_ =	shalt  }
0x5f: {  	_ =	shalt  }
0x60: {  	_ =	shalt  }
0x61: {  	_ =	shalt  }
0x62: {  	_ =	shalt  }
0x63: {  	_ =	shalt  }
0x64: {  	_ =	shalt  }
0x65: {  	_ =	shalt  }
0x66: {  	_ =	shalt  }
0x67: {  	_ =	shalt  }
0x68: {  	_ =	shalt  }
0x69: {  	_ =	shalt  }
0x6a: {  	_ =	shalt  }
0x6b: {  	_ =	shalt  }
0x6c: {  	_ =	shalt  }
0x6d: {  	_ =	shalt  }
0x6e: {  	_ =	shalt  }
0x6f: {  	_ =	shalt  }
0x70: {  	_ =	shalt  }
0x71: {  	_ =	shalt  }
0x72: {  	_ =	shalt  }
0x73: {  	_ =	shalt  }
0x74: {  	_ =	shalt  }
0x75: {  	_ =	shalt  }
0x76: {  	_ =	shalt  }
0x77: {  	_ =	shalt  }
0x78: {  	_ =	shalt  }
0x79: {  	_ =	shalt  }
0x7a: {  	_ =	shalt  }
0x7b: {  	_ =	shalt  }
0x7c: {  	_ =	shalt  }
0x7d: {  	_ =	shalt  }
0x7e: {  	_ =	shalt  }
0x7f: {  	_ =	shalt  }
0x80: {  	_ =	shalt  }
0x81: {  	_ =	shalt  }
0x82: {  	_ =	shalt  }
0x83: {  	_ =	shalt  }
0x84: {  	_ =	shalt  }
0x85: {  	_ =	shalt  }
0x86: {  	_ =	shalt  }
0x87: {  	_ =	shalt  }
.Lfunc_end0:
.L_simem_size_0:
called_computation_lowered:
.L_overlay_start_0:
0x88: {  	s2 =	sld [smem:$0x3FD9]  }
0x89: {  	s3 =	sld [smem:$0x3FFE];
	_ =	sdelay $0x1  }
0x8a: {  	s1 =	srdreg.scid  }
0x8b: {  	s0 =	sand.u32 $0x1, s1  }
0x8c: {  	s17 =	sshll.u32 s0, $0xA;
	s2 =	sadd.s32 s3, s2  }
0x8d: {  	s2 =	sadd.s32 s2, s17  }
0x8e: {  	[smem:$0x3FC6] =	sst s2  }
0x8f: {  	_ = 	snop  }
0x90: {  	s2 =	sld [smem:$0x3FC9];
	(tm) =	ssettm $0x1  }
0x91: {  	s18 =	sld [smem:$0x3FFB];
	_ =	sdelay $0x3  }
0x92: {  	_ =	strace s18  }
0x93: {  	s3 =	sld [smem:$0x3FFC];
	_ =	sdelay $0x3  }
0x94: {  	_ =	strace s3  }
0x95: {  	s3 =	sld [smem:$0x3FFD];
	_ =	sdelay $0x3  }
0x96: {  	_ =	strace s3  }
0x97: {  	_ =	strace $0x8FFFFFFF  }
0x98: {  	s19 =	sld [smem:$0x3FDB];
	_ =	sdelay $0x1  }
0x99: {  	s4 =	simm.s32 $_scs_section_size  }
0x9a: {  	s5 =	simm.s32 $_size__tile_overlayer_lowered;
	s6 =	simm.s32 $_tile_overlayer_lowered  }
0x9b: {  	s22 =	simm.s32 $0x1BFF;
	s21 =	sshll.u32 s6, $0x1;
	s3 =	sadd.s32 s4, s19  }
0x9c: {  	s7 =	simm.s32 $0x0;
	s20 =	sshll.u32 s5, $0x1;
	s5 =	sadd.s32 s21, s3  }
0x9d: {  	[timem:s7], [sflag:s22] =	dma.local [hbm:s5], s20  }
0x9e: {  	_ =	swait.ge [sflag:s22], s20  }
0x9f: {  	s4 =	ssub.s32 $0x0, s20;
	[sflag:s22] =	ssyncset.done $0x0  }
0xa0: {  	[sflag:s22] =	ssyncadd.s32 s4;
	_ =	sdelay $0x1  }
0xa1: {  	s23 =	simm.s32 $0x1B8B  }
0xa2: {  	_ =	swait.ge [sflag:s23], $0x1  }
0xa3: {  	[sflag:s23] =	ssyncset.done $0x0  }
0xa4: {  	s25 =	simm.s32 $0x1B8E;
	s24 =	sld [smem:$0x3FFE];
	[sflag:s23] =	ssyncadd.s32 $0xFFFFFFFF  }
0xa5: {  	s26 =	simm.s32 $execute0_lowered;
	[smem:$0x3FD2] =	sst s25  }
0xa6: {  	s5 =	sshll.u32 s26, $0x1;
	_ =	strace $0x80000046;
	[dreg:$0x1] =	wrdreg $0xFFFFFFFF  }
0xa7: {  	s28 =	simm.s32 $_size_execute0_lowered;
	s3 =	sadd.s32 s3, s5;
	[dreg:$0x0] =	wrdreg $0x0  }
0xa8: {  	s5 =	sshll.u32 s28, $0x1;
	[dreg:$0x2] =	wrdreg s3  }
0xa9: {  	[dreg:$0x3] =	wrdreg s5  }
0xaa: {  	[dreg:$0x4] =	wrdreg $0xC0  }
0xab: {  	_ =	task [dreg:s7], $0x5FFFF  }
0xac: {  	[dreg:$0x1] =	wrdreg $0xFFFFFFFF  }
0xad: {  	[dreg:$0x0] =	wrdreg $0x60  }
0xae: {  	[dreg:$0x2] =	wrdreg s2  }
0xaf: {  	[dreg:$0x3] =	wrdreg s24  }
0xb0: {  	[dreg:$0x4] =	wrdreg $0x9  }
0xb1: {  	_ =	task.clear_ibuf [dreg:s7], $0x5FFFF;
	_ =	strace $0x90000046  }
0xb2: {  	s29 =	simm.s32 $0x9;
	_ =	strace $0x80000048  }
0xb3: {  	_ =	swait.ge [sflag:s29], $0x1  }
0xb4: {  	[sflag:s29] =	ssyncadd.s32 $0xFFFFFFFF  }
0xb5: {  	_ =	strace $0x90000048  }
0xb6: {  	_ =	sfence  }
0xb7: {  	s30 =	sld [smem:$0x0];
	_ =	sdelay $0x2  }
0xb8: {  	s31 =	sshll.u32 s1, $0xD;
	s1 =	sshrl.u32 s1, $0x2  }
0xb9: {  	s3 =	sand.u32 $0x4000, s31;
	s1 =	sadd.s32 s1, s30  }
0xba: {  	s0 =	sor.u32 s3, s0;
	s1 =	sshll.u32 s1, $0x11  }
0xbb: {  	s0 =	sor.u32 s1, s0  }
0xbc: {  	s0 =	sadd.s32 $0x8F2B, s0  }
0xbd: {  	[sflag:s0] =	ssyncadd.remote.s32 $0x1  }
0xbe: {  	_ =	sfence.sel $0xFFFF  }
0xbf: {  	[dreg:$0x0] =	wrdreg $0xFFFFFFFF;
	(pc) =	sbr.abs _section_cstart, $3  }
0xc0: {  	[dreg:$0x1] =	wrdreg $0xFFFFFFFF  }
0xc1: {  	_ =	task.clear_ibuf [dreg:s7], $0x2FFFF;
	_ =	strace $0x9FFFFFFF  }
0xc2: {  	(tm) =	ssettm $0x7FFFFFFF  }
0xc3: {  	_ =	shalt  }
tec
execute0_lowered:
.L_overlay_start_1:
0x0: {  	(tag) =	ssettag $0x1  }
0x1: {  	s0 =	rddreg [dreg:$0x0]  }
0x2: {  	s1 =	rddreg [dreg:$0x1]  }
0x3: {  	s2 =	simm.s32 $0x0;
	s3 =	srdreg.scid;
	s4 =	stileid.u32  }
0x4: {  	s15 =	simm.s32 $0x2;
	s16 =	simm.s32 $0x200;
	s28 =	simm.s32 $0x1  }
0x5: {  	s31 =	simm.s32 $0x1C00;
	s17 =	simm.s32 $0x2200;
	s18 =	simm.s32 $0x2400  }
0x6: {  	s19 =	simm.s32 $0x2600;
	s20 =	simm.s32 $0x2800;
	s21 =	simm.s32 $0x0  }
0x7: {  	[smem:$0x7FF] =	sst s2;
	s3 =	sand.u32 $0x1, s3;
	s4 =	sshll.u32 s4, $0x7  }
0x8: {  	_ =	strace $0x80000047;
	s5 =	sshll.u32 s3, $0x6;
	s6 =	ssub.s32 $0x2, s3  }
0x9: {  	s3 =	sadd.s32 $0x400, s1;
	s4 =	sor.u32 s5, s4;
	s30 =	sshrl.u32 s6, $0x1  }
0xa: {  	s1 =	sadd.s32 s4, s1;
	s14 =	ssub.s32 s6, s30;
	s4 =	sadd.s32 s0, s4  }
0xb: {  	s0 =	simm.s32 $0x1E00;
	s5 =	sadd.s32 $0xB7600, s1;
	s6 =	sadd.s32 $0xB7E00, s1  }
0xc: {  	s7 =	sadd.s32 $0xB8600, s1;
	s8 =	sadd.s32 $0xB8E00, s1;
	s9 =	sadd.s32 $0xB9600, s1  }
0xd: {  	s10 =	sadd.s32 $0xB9E00, s1;
	s11 =	sadd.s32 $0xBA600, s1;
	s12 =	sadd.s32 $0xBAE00, s1  }
0xe: {  	s13 =	sadd.s32 $0xBB600, s1;
	s14 =	smax.u32 s14, $0x1;
	s1 =	simm.s32 $0x2000  }
.LBB2_1:
0xf: {  	[tilespmem:s2], [sflag:$0x2] =	stream.linear.gather [hbm4b:s4+s2], $0x200, $0x38;
	[tilespmem:$0x2A00] =	vst v63  }
0x10: {  	_ =	swait.ge [sflag:s15], $0x200  }
0x11: {  	[sflag:s15] =	ssyncset.done $0x0  }
0x12: {  	s22 =	simm.s32 $0x0;
	[sflag:s15] =	ssyncadd.s32 $0xFFFFFE00  }
0x13: {  	v0 =	vld [tilespmem:s22+$0x0];
	_ =	sdelay $0x4  }
0x14: {  	v1 =	vshll.u32 v0, $0x3  }
0x15: {  	v0 =	vand.u32 $0x7F, v0;
	v1 =	vand.u32 $0xFFFFFC00, v1  }
0x16: {  	s24 =	simm.s32 $0x40;
	s23 =	simm.s32 $0x80;
	v0 =	vor.u32 v0, v1  }
.LBB2_2:
0x17: {  	p0 =	sne.s32 s23, $0x7C0;
	s25 =	sshra.s32 s24, $0x2;
	v1 =	vor.u32 $0x80, v0;
	v2 =	vor.u32 $0x100, v0;
	v3 =	vor.u32 $0x180, v0;
	[tilespmem:s22+$0x0] =	vst v0;
	s24 =	smov.u32 s23  }
0x18: {  	v4 =	vld [tilespmem:s25+$0x0];
	[tilespmem:s22+$0x200] =	vst v1;
	v1 =	vor.u32 $0x200, v0;
	v0 =	vor.u32 $0x280, v0  }
0x19: {  	[tilespmem:s22+$0x400] =	vst v2  }
0x1a: {  	[tilespmem:s22+$0x600] =	vst v3  }
.Ltmp0:
0x1b: {  	[tilespmem:s22+$0x800] =	vst v1;
	(pc) =	sbr.rel @p0 .LBB2_2-.Ltmp0, $4  }
0x1c: {  	[tilespmem:s22+$0xA00] =	vst v0;
	s22 =	smov.u32 s25  }
0x1d: {  	v0 =	vshll.u32 v4, $0x3  }
0x1e: {  	v1 =	vand.u32 $0x7F, v4;
	v0 =	vand.u32 $0xFFFFFC00, v0  }
0x1f: {  	s23 =	sadd.s32 $0x40, s23;
	v0 =	vor.u32 v1, v0  }
0x20: {  	s23 =	sshra.s32 s24, $0x2;
	[tilespmem:s22+$0x0] =	vst v0  }
0x21: {  	v1 =	vld [tilespmem:s23+$0x0];
	_ =	sdelay $0x1  }
0x22: {  	v2 =	vor.u32 $0x80, v0  }
0x23: {  	v3 =	vor.u32 $0x100, v0;
	[tilespmem:s22+$0x200] =	vst v2  }
0x24: {  	v2 =	vor.u32 $0x180, v0;
	[tilespmem:s22+$0x400] =	vst v3  }
0x25: {  	v3 =	vor.u32 $0x200, v0;
	[tilespmem:s22+$0x600] =	vst v2;
	v2 =	vshll.u32 v1, $0x3  }
0x26: {  	v0 =	vor.u32 $0x280, v0;
	[tilespmem:s22+$0x800] =	vst v3;
	v1 =	vand.u32 $0x7F, v1;
	v2 =	vand.u32 $0xFFFFFC00, v2  }
0x27: {  	[tilespmem:s22+$0xA00] =	vst v0;
	v0 =	vor.u32 v1, v2  }
0x28: {  	v1 =	vor.u32 $0x80, v0;
	[tilespmem:s23+$0x0] =	vst v0  }
0x29: {  	v2 =	vor.u32 $0x100, v0;
	[tilespmem:s23+$0x200] =	vst v1  }
0x2a: {  	v1 =	vor.u32 $0x180, v0;
	[tilespmem:s23+$0x400] =	vst v2  }
0x2b: {  	v2 =	vor.u32 $0x200, v0;
	[tilespmem:s23+$0x600] =	vst v1  }
0x2c: {  	v0 =	vor.u32 $0x280, v0;
	[tilespmem:s23+$0x800] =	vst v2  }
0x2d: {  	s26 =	simm.s32 $0x0;
	s30 =	simm.s32 $0xC00;
	[tilespmem:s23+$0xA00] =	vst v0  }
0x2e: {  	[tilespmem:s30], [sflag:$0x1] =	stream.indirect.gather [hbm4b:s3+s16], $0x1, s26, s16, $0xb8;
	[tilespmem:$0x2A00] =	vst v63  }
0x2f: {  	s23 =	simm.s32 $0xE00  }
0x30: {  	[tilespmem:s23], [sflag:$0x1] =	stream.indirect.gather [hbm4b:s3+s16], $0x1, s16, s16, $0xb8;
	[tilespmem:$0x2A00] =	vst v63  }
0x31: {  	s24 =	simm.s32 $0x400;
	s25 =	simm.s32 $0x1000  }
0x32: {  	[tilespmem:s25], [sflag:$0x1] =	stream.indirect.gather [hbm4b:s3+s16], $0x1, s24, s16, $0xb8;
	[tilespmem:$0x2A00] =	vst v63  }
0x33: {  	s26 =	simm.s32 $0x600;
	s30 =	simm.s32 $0x1200  }
0x34: {  	[tilespmem:s30], [sflag:$0x1] =	stream.indirect.gather [hbm4b:s3+s16], $0x1, s26, s16, $0xb8;
	[tilespmem:$0x2A00] =	vst v63  }
0x35: {  	s24 =	simm.s32 $0x800;
	s25 =	simm.s32 $0x1400  }
0x36: {  	[tilespmem:s25], [sflag:$0x1] =	stream.indirect.gather [hbm4b:s3+s16], $0x1, s24, s16, $0xb8;
	[tilespmem:$0x2A00] =	vst v63  }
0x37: {  	s26 =	simm.s32 $0xA00;
	s30 =	simm.s32 $0x1600  }
0x38: {  	[tilespmem:s30], [sflag:$0x1] =	stream.indirect.gather [hbm4b:s3+s16], $0x1, s26, s16, $0xb8;
	[tilespmem:$0x2A00] =	vst v63  }
0x39: {  	_ =	swait.ge [sflag:s28], $0x200  }
0x3a: {  	[sflag:s28] =	ssyncset.done $0x0  }
0x3b: {  	[sflag:s28] =	ssyncadd.s32 $0xFFFFFE00  }
0x3c: {  	_ =	swait.ge [sflag:s28], $0x200  }
0x3d: {  	[sflag:s28] =	ssyncset.done $0x0  }
0x3e: {  	[sflag:s28] =	ssyncadd.s32 $0xFFFFFE00  }
0x3f: {  	_ =	swait.ge [sflag:s28], $0x200  }
0x40: {  	[sflag:s28] =	ssyncset.done $0x0  }
0x41: {  	[sflag:s28] =	ssyncadd.s32 $0xFFFFFE00  }
0x42: {  	_ =	swait.ge [sflag:s28], $0x200  }
0x43: {  	[sflag:s28] =	ssyncset.done $0x0  }
0x44: {  	[sflag:s28] =	ssyncadd.s32 $0xFFFFFE00  }
0x45: {  	_ =	swait.ge [sflag:s28], $0x200  }
0x46: {  	[sflag:s28] =	ssyncset.done $0x0  }
0x47: {  	[sflag:s28] =	ssyncadd.s32 $0xFFFFFE00  }
0x48: {  	_ =	swait.ge [sflag:s28], $0x200  }
0x49: {  	[sflag:s28] =	ssyncset.done $0x0  }
0x4a: {  	s26 =	simm.s32 $0x0;
	[sflag:s28] =	ssyncadd.s32 $0xFFFFFE00  }
0x4b: {  	v0 =	vld [tilespmem:s26+$0xC00]  }
0x4c: {  	v1 =	vld [tilespmem:s26+$0xE00];
	_ =	sdelay $0x1  }
0x4d: {  	v2 =	vld [tilespmem:s26+$0x1000];
	_ =	sdelay $0x2  }
0x4e: {  	v3 =	vmul.f32 v0, v0;
	v4 =	vmul.f32 v1, v1;
	_ =	sdelay $0x1  }
0x4f: {  	v5 =	vmul.f32 v2, v2;
	v3 =	vadd.f32 v4, v3;
	_ =	sdelay $0x1  }
0x50: {  	v3 =	vadd.f32 v5, v3;
	_ =	sdelay $0x1  }
0x51: {  	v4 =	vshra.s32 v3, $0x1;
	v3 =	vmul.f32 $5.000000000e-01, v3  }
0x52: {  	v4 =	vsub.s32 $0x5F3759DF, v4  }
0x53: {  	v5 =	vmul.f32 v4, v3;
	_ =	sdelay $0x1  }
0x54: {  	v5 =	vmul.f32 v4, v5;
	_ =	sdelay $0x1  }
0x55: {  	v5 =	vsub.f32 $1.500000000e+00, v5;
	_ =	sdelay $0x1  }
0x56: {  	v4 =	vmul.f32 v4, v5;
	_ =	sdelay $0x1  }
0x57: {  	s22 =	simm.s32 $0x10;
	v5 =	vmul.f32 v4, v3  }
0x58: {  	v6 =	vld [tilespmem:s22+$0xC00]  }
0x59: {  	v7 =	vld [tilespmem:s22+$0xE00];
	v5 =	vmul.f32 v5, v4;
	_ =	sdelay $0x1  }
0x5a: {  	v10 =	vld [tilespmem:s22+$0x1000];
	v5 =	vsub.f32 $1.500000000e+00, v5;
	_ =	sdelay $0x1  }
0x5b: {  	v4 =	vmul.f32 v5, v4  }
0x5c: {  	v8 =	vmul.f32 v7, v7;
	v5 =	vmul.f32 v6, v6  }
0x5d: {  	v3 =	vmul.f32 v4, v3  }
0x5e: {  	v9 =	vmul.f32 v10, v10;
	v5 =	vadd.f32 v8, v5  }
0x5f: {  	v3 =	vmul.f32 v3, v4  }
0x60: {  	v5 =	vadd.f32 v9, v5  }
0x61: {  	v12 =	vld [tilespmem:s26+$0x1400];
	v3 =	vsub.f32 $1.500000000e+00, v3  }
0x62: {  	v8 =	vld [tilespmem:s26+$0x1200];
	v9 =	vshra.s32 v5, $0x1;
	v11 =	vmul.f32 $5.000000000e-01, v5  }
0x63: {  	v9 =	vsub.s32 $0x5F3759DF, v9;
	v5 =	vmul.f32 v3, v4  }
0x64: {  	v14 =	vld [tilespmem:s26+$0x1600];
	v13 =	vmul.f32 v9, v11  }
0x65: {  	v3 =	vmul.f32 v5, v0;
	v4 =	vmul.f32 v5, v1  }
0x66: {  	v0 =	vmul.f32 v9, v13;
	v5 =	vmul.f32 v5, v2  }
0x67: {  	v1 =	vmul.f32 v3, v8;
	v2 =	vmul.f32 v4, v12  }
0x68: {  	v0 =	vsub.f32 $1.500000000e+00, v0  }
0x69: {  	v1 =	vadd.f32 v2, v1;
	v2 =	vmul.f32 v5, v14  }
0x6a: {  	v0 =	vmul.f32 v9, v0  }
0x6b: {  	v1 =	vadd.f32 v1, v2  }
0x6c: {  	s23 =	simm.s32 $0x20;
	v2 =	vmul.f32 v0, v11  }
0x6d: {  	v17 =	vld [tilespmem:s23+$0xC00];
	v9 =	vmul.f32 v1, v3;
	v13 =	vmul.f32 v1, v4  }
0x6e: {  	v19 =	vld [tilespmem:s23+$0xE00];
	v2 =	vmul.f32 v2, v0  }
0x6f: {  	v1 =	vmul.f32 v1, v5;
	v16 =	vsub.f32 v8, v9;
	v20 =	vsub.f32 v12, v13  }
0x70: {  	v24 =	vld [tilespmem:s23+$0x1000];
	v2 =	vsub.f32 $1.500000000e+00, v2  }
0x71: {  	v25 =	vsub.f32 v14, v1;
	v1 =	vmul.f32 v16, v16;
	v8 =	vmul.f32 v20, v20  }
0x72: {  	v9 =	vmul.f32 v17, v17;
	v0 =	vmul.f32 v2, v0  }
0x73: {  	v2 =	vmul.f32 v19, v19;
	v1 =	vadd.f32 v8, v1;
	v8 =	vmul.f32 v25, v25  }
0x74: {  	v11 =	vmul.f32 v0, v11  }
0x75: {  	[tilespmem:s26+$0x1800] =	vst v3;
	v12 =	vmul.f32 v24, v24;
	v2 =	vadd.f32 v2, v9;
	v1 =	vadd.f32 v1, v8  }
0x76: {  	[tilespmem:s26+$0x1A00] =	vst v4;
	v8 =	vmul.f32 v11, v0  }
0x77: {  	[tilespmem:s26+$0x1C00] =	vst v5;
	v2 =	vadd.f32 v12, v2;
	v9 =	vshra.s32 v1, $0x1;
	v14 =	vmul.f32 $5.000000000e-01, v1  }
0x78: {  	v15 =	vld [tilespmem:s22+$0x1400];
	v1 =	vsub.f32 $1.500000000e+00, v8;
	v11 =	vsub.s32 $0x5F3759DF, v9  }
0x79: {  	v12 =	vld [tilespmem:s22+$0x1200];
	v8 =	vshra.s32 v2, $0x1;
	v21 =	vmul.f32 $5.000000000e-01, v2;
	v2 =	vmul.f32 v11, v14  }
0x7a: {  	v13 =	vsub.s32 $0x5F3759DF, v8;
	v18 =	vmul.f32 v1, v0  }
0x7b: {  	s24 =	simm.s32 $0x30;
	v23 =	vld [tilespmem:s22+$0x1600];
	v9 =	vmul.f32 v13, v21;
	v22 =	vmul.f32 v11, v2  }
0x7c: {  	v8 =	vld [tilespmem:s24+$0x1000];
	v0 =	vmul.f32 v18, v6;
	v1 =	vmul.f32 v18, v7  }
0x7d: {  	v6 =	vmul.f32 v13, v9;
	v9 =	vld [tilespmem:s24+$0xC00];
	v2 =	vmul.f32 v18, v10;
	v7 =	vsub.f32 $1.500000000e+00, v22  }
0x7e: {  	v10 =	vmul.f32 v0, v12;
	v18 =	vmul.f32 v1, v15  }
0x7f: {  	v6 =	vsub.f32 $1.500000000e+00, v6;
	v7 =	vmul.f32 v11, v7  }
0x80: {  	v10 =	vadd.f32 v18, v10;
	v18 =	vmul.f32 v2, v23  }
0x81: {  	v11 =	vld [tilespmem:s24+$0xE00];
	v6 =	vmul.f32 v13, v6;
	v13 =	vmul.f32 v7, v14  }
0x82: {  	v26 =	vmul.f32 v8, v8;
	v22 =	vmul.f32 v9, v9;
	v10 =	vadd.f32 v10, v18  }
0x83: {  	v18 =	vmul.f32 v6, v21;
	v13 =	vmul.f32 v13, v7  }
0x84: {  	v27 =	vmul.f32 v10, v0;
	v28 =	vmul.f32 v10, v1  }
0x85: {  	v18 =	vmul.f32 v18, v6;
	v10 =	vmul.f32 v10, v2;
	v30 =	vsub.f32 $1.500000000e+00, v13  }
0x86: {  	v29 =	vmul.f32 v11, v11;
	v13 =	vsub.f32 v12, v27;
	v15 =	vsub.f32 v15, v28  }
0x87: {  	v18 =	vsub.f32 $1.500000000e+00, v18;
	v12 =	vsub.f32 v23, v10;
	v7 =	vmul.f32 v30, v7  }
0x88: {  	v22 =	vadd.f32 v29, v22;
	v10 =	vmul.f32 v13, v13;
	v23 =	vmul.f32 v15, v15  }
0x89: {  	v6 =	vmul.f32 v18, v6;
	v14 =	vmul.f32 v7, v14  }
0x8a: {  	v22 =	vadd.f32 v26, v22;
	v10 =	vadd.f32 v23, v10;
	v23 =	vmul.f32 v12, v12  }
0x8b: {  	v21 =	vmul.f32 v6, v21;
	v14 =	vmul.f32 v14, v7  }
0x8c: {  	v26 =	vshra.s32 v22, $0x1;
	v18 =	vmul.f32 $5.000000000e-01, v22;
	v10 =	vadd.f32 v10, v23  }
0x8d: {  	[tilespmem:s22+$0x1800] =	vst v0;
	v26 =	vsub.s32 $0x5F3759DF, v26;
	v21 =	vmul.f32 v21, v6;
	v14 =	vsub.f32 $1.500000000e+00, v14  }
0x8e: {  	[tilespmem:s22+$0x1A00] =	vst v1;
	v23 =	vmul.f32 v26, v18;
	v27 =	vshra.s32 v10, $0x1;
	v22 =	vmul.f32 $5.000000000e-01, v10  }
0x8f: {  	[tilespmem:s22+$0x1C00] =	vst v2;
	v27 =	vsub.s32 $0x5F3759DF, v27;
	v28 =	vmul.f32 v14, v7  }
0x90: {  	v31 =	vld [tilespmem:s23+$0x1400];
	v29 =	vmul.f32 v26, v23;
	v7 =	vsub.f32 $1.500000000e+00, v21;
	v10 =	vmul.f32 v27, v22  }
0x91: {  	v30 =	vld [tilespmem:s23+$0x1200];
	v21 =	vmul.f32 v28, v16;
	v32 =	vmul.f32 v28, v20  }
0x92: {  	v7 =	vmul.f32 v7, v6;
	v20 =	vmul.f32 v27, v10  }
0x93: {  	s25 =	simm.s32 $0x40;
	v23 =	vld [tilespmem:s23+$0x1600];
	v33 =	vmul.f32 v32, v3;
	v34 =	vmul.f32 v21, v4  }
0x94: {  	v14 =	vld [tilespmem:s25+$0xC00];
	v6 =	vmul.f32 v7, v17;
	v10 =	vmul.f32 v7, v19  }
0x95: {  	v16 =	vld [tilespmem:s25+$0x1000];
	v7 =	vmul.f32 v7, v24;
	v17 =	vsub.f32 $1.500000000e+00, v20;
	[tilespmem:s26+$0x1E00] =	vst v21;
	v19 =	vsub.f32 v33, v34  }
0x96: {  	v29 =	vsub.f32 $1.500000000e+00, v29;
	[tilespmem:s26+$0x2000] =	vst v32;
	v24 =	vmul.f32 v6, v30;
	v60 =	vmul.f32 v10, v31  }
0x97: {  	v25 =	vmul.f32 v28, v25;
	v61 =	vmul.f32 v27, v17;
	[tilespmem:s26+$0x2800] =	vst v19  }
0x98: {  	v26 =	vmul.f32 v26, v29;
	v17 =	vadd.f32 v60, v24;
	v19 =	vmul.f32 v7, v23;
	v20 =	vld [tilespmem:s25+$0xE00]  }
0x99: {  	v28 =	vmul.f32 v14, v14;
	v27 =	vmul.f32 v61, v22  }
0x9a: {  	v29 =	vmul.f32 v16, v16;
	v24 =	vmul.f32 v32, v5;
	v62 =	vadd.f32 v17, v19  }
0x9b: {  	v17 =	vmul.f32 v26, v18;
	v19 =	vmul.f32 v27, v61  }
0x9c: {  	[tilespmem:s23+$0x1800] =	vst v6;
	v27 =	vmul.f32 v62, v6;
	v63 =	vmul.f32 v62, v10  }
0x9d: {  	[tilespmem:s26+$0x2200] =	vst v25;
	v36 =	vmul.f32 v17, v26;
	v37 =	vsub.f32 $1.500000000e+00, v19;
	v35 =	vmul.f32 v20, v20  }
0x9e: {  	[tilespmem:s23+$0x1A00] =	vst v10;
	v19 =	vsub.f32 v30, v27;
	v17 =	vsub.f32 v31, v63;
	v27 =	vmul.f32 v62, v7  }
0x9f: {  	s29 =	simm.s32 $0x140;
	[tilespmem:s23+$0x1C00] =	vst v7;
	v30 =	vsub.f32 $1.500000000e+00, v36;
	v31 =	vadd.f32 v35, v28;
	v28 =	vmul.f32 v37, v61  }
.LBB2_4:
0xa0: {  	p0 =	sne.s32 s29, $0x7C0;
	v27 =	vsub.f32 v23, v27;
	v23 =	vmul.f32 v19, v19;
	v32 =	vmul.f32 v17, v17  }
0xa1: {  	v29 =	vadd.f32 v29, v31;
	v22 =	vmul.f32 v28, v22;
	v31 =	vmul.f32 v25, v4;
	v4 =	vmovc v1  }
0xa2: {  	v26 =	vmul.f32 v30, v26;
	v1 =	vmovc v10;
	v23 =	vadd.f32 v32, v23;
	v30 =	vmul.f32 v27, v27  }
0xa3: {  	v10 =	vshra.s32 v29, $0x1;
	v29 =	vmul.f32 $5.000000000e-01, v29;
	v22 =	vmul.f32 v22, v28  }
0xa4: {  	v32 =	vsub.s32 $0x5F3759DF, v10;
	v10 =	vmul.f32 v26, v18;
	v23 =	vadd.f32 v23, v30  }
0xa5: {  	v34 =	vmul.f32 v21, v5;
	v5 =	vmovc v2;
	v30 =	vmul.f32 v32, v29;
	v33 =	vsub.f32 $1.500000000e+00, v22;
	v18 =	vmovc v29  }
0xa6: {  	v2 =	vmovc v7;
	v10 =	vmul.f32 v10, v26;
	v21 =	vshra.s32 v23, $0x1;
	v22 =	vmul.f32 $5.000000000e-01, v23  }
0xa7: {  	v7 =	vmul.f32 v25, v3;
	v3 =	vmovc v0;
	v0 =	vmovc v6;
	v29 =	vsub.s32 $0x5F3759DF, v21;
	v28 =	vmul.f32 v33, v28  }
0xa8: {  	v25 =	vmul.f32 v32, v30;
	v30 =	vld [tilespmem:s24+$0x1200];
	v6 =	vsub.f32 $1.500000000e+00, v10;
	v10 =	vmul.f32 v29, v22  }
0xa9: {  	v24 =	vsub.f32 v31, v24;
	v33 =	vld [tilespmem:s24+$0x1400];
	v21 =	vmul.f32 v28, v13;
	v35 =	vmul.f32 v28, v15;
	v13 =	vmovc v19  }
0xaa: {  	v7 =	vsub.f32 v34, v7;
	v15 =	vmovc v17;
	v19 =	vmul.f32 v6, v26;
	v26 =	vmul.f32 v29, v10  }
0xab: {  	s30 =	sshra.s32 s29, $0x2;
	v23 =	vld [tilespmem:s24+$0x1600];
	v17 =	vmul.f32 v35, v3;
	v31 =	vmul.f32 v21, v4;
	[tilespmem:s26+$0x2400] =	vst v24  }
0xac: {  	v34 =	vld [tilespmem:s30+$0x1000];
	v6 =	vmul.f32 v19, v9;
	v10 =	vmul.f32 v19, v11;
	[tilespmem:s26+$0x2600] =	vst v7;
	v9 =	vmovc v14;
	v11 =	vmov v20;
	s26 =	smov.u32 s22;
	s22 =	smov.u32 s23;
	s23 =	smov.u32 s24  }
0xad: {  	v7 =	vmul.f32 v19, v8;
	v19 =	vsub.f32 $1.500000000e+00, v26;
	v8 =	vmovc v16;
	s24 =	smov.u32 s25;
	s25 =	smov.u32 s30;
	v14 =	vld [tilespmem:s30+$0xC00];
	v17 =	vsub.f32 v17, v31;
	[tilespmem:s26+$0x1E00] =	vst v21  }
0xae: {  	v31 =	vmul.f32 v6, v30;
	v24 =	vmul.f32 v10, v33;
	[tilespmem:s26+$0x2000] =	vst v35  }
0xaf: {  	v26 =	vsub.f32 $1.500000000e+00, v25;
	v25 =	vmul.f32 v28, v12;
	v12 =	vmovc v27;
	v36 =	vmul.f32 v29, v19;
	[tilespmem:s26+$0x2800] =	vst v17  }
0xb0: {  	v20 =	vld [tilespmem:s25+$0xE00];
	v17 =	vadd.f32 v24, v31;
	v19 =	vmul.f32 v7, v23;
	[tilespmem:s23+$0x1800] =	vst v6;
	v24 =	vmul.f32 v35, v5  }
0xb1: {  	v26 =	vmul.f32 v32, v26;
	v27 =	vmul.f32 v36, v22;
	[tilespmem:s26+$0x2200] =	vst v25;
	v16 =	vmov v34  }
0xb2: {  	v28 =	vmul.f32 v14, v14;
	v29 =	vmul.f32 v34, v16;
	v31 =	vadd.f32 v17, v19;
	[tilespmem:s23+$0x1A00] =	vst v10  }
.Ltmp1:
0xb3: {  	v17 =	vmul.f32 v26, v18;
	v19 =	vmul.f32 v27, v36;
	[tilespmem:s23+$0x1C00] =	vst v7;
	(pc) =	sbr.rel @p0 .LBB2_4-.Ltmp1, $4  }
0xb4: {  	v27 =	vmul.f32 v31, v6;
	v32 =	vmul.f32 v31, v10  }
0xb5: {  	v35 =	vmul.f32 v17, v26;
	v37 =	vsub.f32 $1.500000000e+00, v19;
	v34 =	vmul.f32 v20, v20  }
0xb6: {  	v19 =	vsub.f32 v30, v27;
	v17 =	vsub.f32 v33, v32;
	v27 =	vmul.f32 v31, v7  }
0xb7: {  	s29 =	sadd.s32 $0x40, s29;
	v30 =	vsub.f32 $1.500000000e+00, v35;
	v31 =	vadd.f32 v34, v28;
	v28 =	vmul.f32 v37, v36  }
0xb8: {  	_ = 	snop  }
0xb9: {  	v29 =	vadd.f32 v29, v31;
	_ =	sdelay $0x1  }
0xba: {  	v31 =	vshra.s32 v29, $0x1;
	v29 =	vmul.f32 $5.000000000e-01, v29  }
0xbb: {  	v31 =	vsub.s32 $0x5F3759DF, v31  }
0xbc: {  	v32 =	vmul.f32 v31, v29  }
0xbd: {  	v22 =	vmul.f32 v28, v22  }
0xbe: {  	v32 =	vmul.f32 v31, v32  }
0xbf: {  	v22 =	vmul.f32 v22, v28  }
0xc0: {  	v26 =	vmul.f32 v30, v26;
	v50 =	vsub.f32 $1.500000000e+00, v32  }
0xc1: {  	v4 =	vmul.f32 v25, v4;
	v5 =	vmul.f32 v21, v5;
	v22 =	vsub.f32 $1.500000000e+00, v22  }
0xc2: {  	v18 =	vmul.f32 v26, v18;
	v51 =	vmul.f32 v31, v50  }
0xc3: {  	v3 =	vmul.f32 v25, v3;
	v22 =	vmul.f32 v22, v28  }
0xc4: {  	v18 =	vmul.f32 v18, v26;
	v53 =	vmul.f32 v51, v29  }
0xc5: {  	v52 =	vld [tilespmem:s24+$0x1200];
	v4 =	vsub.f32 v4, v24;
	v13 =	vmul.f32 v22, v13;
	v15 =	vmul.f32 v22, v15  }
0xc6: {  	v54 =	vld [tilespmem:s24+$0x1400];
	v3 =	vsub.f32 v5, v3;
	v18 =	vsub.f32 $1.500000000e+00, v18;
	v56 =	vmul.f32 v53, v51  }
0xc7: {  	v55 =	vld [tilespmem:s24+$0x1600];
	[tilespmem:s26+$0x2400] =	vst v4;
	v57 =	vmul.f32 v15, v0;
	v58 =	vmul.f32 v13, v1  }
0xc8: {  	[tilespmem:s26+$0x2600] =	vst v3;
	v18 =	vmul.f32 v18, v26;
	v59 =	vsub.f32 $1.500000000e+00, v56  }
0xc9: {  	v60 =	vmul.f32 v19, v19;
	v61 =	vmul.f32 v17, v17;
	[tilespmem:s22+$0x1E00] =	vst v13;
	v62 =	vsub.f32 v57, v58  }
0xca: {  	v3 =	vmul.f32 v18, v9;
	[tilespmem:s22+$0x2000] =	vst v15;
	v63 =	vmul.f32 v59, v51  }
0xcb: {  	v4 =	vmul.f32 v18, v11;
	v11 =	vmul.f32 v22, v12;
	[tilespmem:s22+$0x2800] =	vst v62  }
0xcc: {  	v5 =	vmul.f32 v18, v8;
	v12 =	vsub.f32 v23, v27;
	[tilespmem:s24+$0x1800] =	vst v3;
	v28 =	vmul.f32 v63, v29  }
0xcd: {  	v31 =	vmul.f32 v4, v54;
	[tilespmem:s22+$0x2200] =	vst v11;
	v29 =	vmul.f32 v3, v52  }
0xce: {  	v32 =	vadd.f32 v61, v60;
	v23 =	vmul.f32 v12, v12;
	[tilespmem:s24+$0x1A00] =	vst v4;
	v8 =	vmul.f32 v28, v63  }
0xcf: {  	v33 =	vmul.f32 v5, v55;
	[tilespmem:s24+$0x1C00] =	vst v5;
	v18 =	vadd.f32 v31, v29  }
0xd0: {  	v22 =	vadd.f32 v32, v23;
	v34 =	vld [tilespmem:s25+$0x1200];
	v8 =	vsub.f32 $1.500000000e+00, v8  }
0xd1: {  	v35 =	vld [tilespmem:s25+$0x1400];
	v18 =	vadd.f32 v18, v33  }
0xd2: {  	v23 =	vmul.f32 $5.000000000e-01, v22;
	v37 =	vld [tilespmem:s25+$0x1600];
	v9 =	vmul.f32 v8, v63  }
0xd3: {  	v38 =	vshra.s32 v22, $0x1;
	v36 =	vmul.f32 v18, v3;
	v39 =	vmul.f32 v18, v4  }
0xd4: {  	v40 =	vsub.s32 $0x5F3759DF, v38;
	v8 =	vmul.f32 v9, v14;
	v14 =	vmul.f32 v9, v20  }
0xd5: {  	v18 =	vmul.f32 v18, v5;
	v9 =	vmul.f32 v9, v16;
	v25 =	vsub.f32 v52, v36  }
0xd6: {  	v22 =	vsub.f32 v54, v39;
	v41 =	vmul.f32 v8, v34;
	v42 =	vmul.f32 v14, v35  }
0xd7: {  	v43 =	vmul.f32 v40, v23;
	v18 =	vsub.f32 v55, v18;
	v44 =	vmul.f32 v9, v37  }
0xd8: {  	v45 =	vmul.f32 v25, v25;
	v30 =	vmul.f32 v22, v22;
	v20 =	vadd.f32 v42, v41  }
0xd9: {  	v27 =	vmul.f32 v40, v43  }
0xda: {  	v46 =	vmul.f32 v18, v18;
	v24 =	vadd.f32 v30, v45;
	v20 =	vadd.f32 v20, v44  }
0xdb: {  	v27 =	vsub.f32 $1.500000000e+00, v27  }
0xdc: {  	v24 =	vadd.f32 v24, v46;
	v47 =	vmul.f32 v20, v8;
	v48 =	vmul.f32 v20, v14  }
0xdd: {  	v16 =	vmul.f32 v40, v27;
	v20 =	vmul.f32 v20, v9  }
0xde: {  	v49 =	vshra.s32 v24, $0x1;
	v26 =	vsub.f32 v34, v47;
	v21 =	vsub.f32 v35, v48  }
0xdf: {  	v52 =	vmul.f32 v16, v23;
	v24 =	vmul.f32 $5.000000000e-01, v24;
	v27 =	vsub.s32 $0x5F3759DF, v49  }
0xe0: {  	v20 =	vsub.f32 v37, v20;
	v50 =	vmul.f32 v26, v26;
	v51 =	vmul.f32 v21, v21  }
0xe1: {  	v30 =	vmul.f32 v52, v16;
	v53 =	vmul.f32 v27, v24  }
0xe2: {  	v54 =	vmul.f32 v20, v20;
	v28 =	vadd.f32 v51, v50  }
0xe3: {  	v55 =	vsub.f32 $1.500000000e+00, v30;
	v31 =	vmul.f32 v27, v53  }
0xe4: {  	v28 =	vadd.f32 v28, v54  }
0xe5: {  	v16 =	vmul.f32 v55, v16;
	v56 =	vsub.f32 $1.500000000e+00, v31  }
0xe6: {  	v57 =	vshra.s32 v28, $0x1;
	v28 =	vmul.f32 $5.000000000e-01, v28  }
0xe7: {  	v23 =	vmul.f32 v16, v23;
	v27 =	vmul.f32 v27, v56;
	v58 =	vsub.s32 $0x5F3759DF, v57  }
0xe8: {  	v59 =	vmul.f32 v58, v28  }
0xe9: {  	v23 =	vmul.f32 v23, v16;
	v60 =	vmul.f32 v27, v24  }
0xea: {  	v30 =	vmul.f32 v58, v59  }
0xeb: {  	v23 =	vsub.f32 $1.500000000e+00, v23;
	v31 =	vmul.f32 v60, v27  }
0xec: {  	v15 =	vmul.f32 v15, v2;
	v61 =	vmul.f32 v11, v1;
	v30 =	vsub.f32 $1.500000000e+00, v30  }
0xed: {  	v62 =	vmul.f32 v13, v2;
	v16 =	vmul.f32 v23, v16;
	v63 =	vsub.f32 $1.500000000e+00, v31  }
0xee: {  	v32 =	vmul.f32 v11, v0;
	v29 =	vmul.f32 v58, v30  }
0xef: {  	v36 =	vmul.f32 v16, v17;
	v33 =	vmul.f32 v63, v27  }
0xf0: {  	v1 =	vsub.f32 v61, v15;
	v35 =	vmul.f32 v16, v19;
	v34 =	vmul.f32 v29, v28  }
0xf1: {  	v0 =	vsub.f32 v62, v32;
	v38 =	vmul.f32 v36, v6;
	v37 =	vmul.f32 v33, v24  }
0xf2: {  	[tilespmem:s22+$0x2400] =	vst v1;
	v39 =	vmul.f32 v35, v10;
	v13 =	vmul.f32 v34, v29  }
0xf3: {  	[tilespmem:s22+$0x2600] =	vst v0;
	v40 =	vmul.f32 v37, v33  }
0xf4: {  	v41 =	vmul.f32 v16, v12;
	[tilespmem:s23+$0x1E00] =	vst v35;
	v2 =	vsub.f32 v38, v39;
	v13 =	vsub.f32 $1.500000000e+00, v13  }
0xf5: {  	[tilespmem:s23+$0x2000] =	vst v36;
	v43 =	vmul.f32 v36, v7;
	v1 =	vsub.f32 $1.500000000e+00, v40  }
0xf6: {  	v44 =	vmul.f32 v41, v10;
	[tilespmem:s23+$0x2800] =	vst v2;
	v42 =	vmul.f32 v13, v29  }
0xf7: {  	v46 =	vmul.f32 v35, v7;
	[tilespmem:s25+$0x1800] =	vst v8;
	v1 =	vmul.f32 v1, v33  }
0xf8: {  	v47 =	vmul.f32 v41, v6;
	[tilespmem:s23+$0x2200] =	vst v41;
	v45 =	vmul.f32 v42, v28  }
0xf9: {  	v10 =	vsub.f32 v44, v43;
	[tilespmem:s25+$0x1A00] =	vst v14;
	v48 =	vmul.f32 v1, v22  }
0xfa: {  	v6 =	vsub.f32 v46, v47;
	[tilespmem:s25+$0x1C00] =	vst v9;
	v11 =	vmul.f32 v1, v25;
	v2 =	vmul.f32 v45, v42  }
0xfb: {  	[tilespmem:s23+$0x2400] =	vst v10;
	v1 =	vmul.f32 v1, v18;
	v49 =	vmul.f32 v48, v3  }
0xfc: {  	[tilespmem:s23+$0x2600] =	vst v6;
	v50 =	vmul.f32 v11, v4;
	v51 =	vmul.f32 v48, v5;
	v2 =	vsub.f32 $1.500000000e+00, v2  }
0xfd: {  	[tilespmem:s24+$0x1E00] =	vst v11;
	v4 =	vmul.f32 v1, v4;
	v5 =	vmul.f32 v11, v5  }
0xfe: {  	[tilespmem:s24+$0x2000] =	vst v48;
	v52 =	vmul.f32 v1, v3;
	v7 =	vsub.f32 v49, v50;
	v2 =	vmul.f32 v2, v42  }
0xff: {  	[tilespmem:s24+$0x2200] =	vst v1;
	v4 =	vsub.f32 v4, v51  }
0x100: {  	v0 =	vsub.f32 v5, v52;
	[tilespmem:s24+$0x2800] =	vst v7;
	v53 =	vmul.f32 v2, v21;
	v54 =	vmul.f32 v2, v26  }
0x101: {  	[tilespmem:s24+$0x2400] =	vst v4;
	v2 =	vmul.f32 v2, v20  }
0x102: {  	[tilespmem:s24+$0x2600] =	vst v0;
	v55 =	vmul.f32 v53, v8;
	v56 =	vmul.f32 v54, v14  }
0x103: {  	[tilespmem:s25+$0x1E00] =	vst v54;
	v58 =	vmul.f32 v53, v9;
	v59 =	vmul.f32 v2, v14  }
0x104: {  	[tilespmem:s25+$0x2000] =	vst v53;
	v60 =	vmul.f32 v54, v9;
	v61 =	vmul.f32 v2, v8;
	v57 =	vsub.f32 v55, v56  }
0x105: {  	[tilespmem:s25+$0x2200] =	vst v2;
	v62 =	vsub.f32 v59, v58  }
0x106: {  	v63 =	vsub.f32 v60, v61;
	[tilespmem:s25+$0x2800] =	vst v57  }
0x107: {  	[tilespmem:s25+$0x2400] =	vst v62  }
0x108: {  	s29 =	simm.s32 $0x1800;
	[tilespmem:s25+$0x2600] =	vst v63  }
0x109: {  	[hbm4b:s5+s2] =	stream.linear.scatter [tilespmem:s29], [sflag:$0x2], $0x200, $0x38;
	[tilespmem:$0x2A00] =	vst v63  }
0x10a: {  	_ =	swait.ge [sflag:s15], $0x200  }
0x10b: {  	[sflag:s15] =	ssyncset.done $0x0  }
0x10c: {  	s30 =	simm.s32 $0x1A00;
	[sflag:s15] =	ssyncadd.s32 $0xFFFFFE00  }
0x10d: {  	[hbm4b:s6+s2] =	stream.linear.scatter [tilespmem:s30], [sflag:$0x2], $0x200, $0x38;
	[tilespmem:$0x2A00] =	vst v63  }
0x10e: {  	_ =	swait.ge [sflag:s15], $0x200  }
0x10f: {  	[sflag:s15] =	ssyncset.done $0x0  }
0x110: {  	[sflag:s15] =	ssyncadd.s32 $0xFFFFFE00  }
0x111: {  	[hbm4b:s7+s2] =	stream.linear.scatter [tilespmem:s31], [sflag:$0x2], $0x200, $0x38;
	[tilespmem:$0x2A00] =	vst v63  }
0x112: {  	_ =	swait.ge [sflag:s15], $0x200  }
0x113: {  	[sflag:s15] =	ssyncset.done $0x0  }
0x114: {  	[sflag:s15] =	ssyncadd.s32 $0xFFFFFE00  }
0x115: {  	[hbm4b:s8+s2] =	stream.linear.scatter [tilespmem:s0], [sflag:$0x2], $0x200, $0x38;
	[tilespmem:$0x2A00] =	vst v63  }
0x116: {  	_ =	swait.ge [sflag:s15], $0x200  }
0x117: {  	[sflag:s15] =	ssyncset.done $0x0  }
0x118: {  	[sflag:s15] =	ssyncadd.s32 $0xFFFFFE00  }
0x119: {  	[hbm4b:s9+s2] =	stream.linear.scatter [tilespmem:s1], [sflag:$0x2], $0x200, $0x38;
	[tilespmem:$0x2A00] =	vst v63  }
0x11a: {  	_ =	swait.ge [sflag:s15], $0x200  }
0x11b: {  	[sflag:s15] =	ssyncset.done $0x0  }
0x11c: {  	[sflag:s15] =	ssyncadd.s32 $0xFFFFFE00  }
0x11d: {  	[hbm4b:s10+s2] =	stream.linear.scatter [tilespmem:s17], [sflag:$0x2], $0x200, $0x38;
	[tilespmem:$0x2A00] =	vst v63  }
0x11e: {  	_ =	swait.ge [sflag:s15], $0x200  }
0x11f: {  	[sflag:s15] =	ssyncset.done $0x0  }
0x120: {  	[sflag:s15] =	ssyncadd.s32 $0xFFFFFE00  }
0x121: {  	[hbm4b:s11+s2] =	stream.linear.scatter [tilespmem:s18], [sflag:$0x2], $0x200, $0x38;
	[tilespmem:$0x2A00] =	vst v63  }
0x122: {  	_ =	swait.ge [sflag:s15], $0x200  }
0x123: {  	[sflag:s15] =	ssyncset.done $0x0  }
0x124: {  	[sflag:s15] =	ssyncadd.s32 $0xFFFFFE00  }
0x125: {  	[hbm4b:s12+s2] =	stream.linear.scatter [tilespmem:s19], [sflag:$0x2], $0x200, $0x38;
	[tilespmem:$0x2A00] =	vst v63  }
0x126: {  	s21 =	sadd.s32 $0x1, s21;
	_ =	swait.ge [sflag:s15], $0x200  }
0x127: {  	p0 =	sne.s32 s21, s14;
	[sflag:s15] =	ssyncset.done $0x0  }
.Ltmp2:
0x128: {  	[sflag:s15] =	ssyncadd.s32 $0xFFFFFE00;
	(pc) =	sbr.rel @p0 .LBB2_1-.Ltmp2, $4  }
0x129: {  	[hbm4b:s13+s2] =	stream.linear.scatter [tilespmem:s20], [sflag:$0x2], $0x200, $0x38;
	[tilespmem:$0x2A00] =	vst v63  }
0x12a: {  	_ =	swait.ge [sflag:s15], $0x200  }
0x12b: {  	[sflag:s15] =	ssyncset.done $0x0  }
0x12c: {  	[sflag:s15] =	ssyncadd.s32 $0xFFFFFE00  }
0x12d: {  	_ =	sfence.sel $0x180000  }
0x12e: {  	[bflag:$0x0] =	sbarrier.arrive $0xFFFF  }
0x12f: {  	_ =	strace $0x90000047  }
0x130: {  	s0 =	stileid.u32;
	[bflag:$0x2] =	sbarrier.arrive $0xFFFF  }
0x131: {  	p0 =	sne.s32 s0, $0x0;
	s0 =	rddreg [dreg:$0x2]  }
0x132: {  	s0 =	sadd.s32 @!p0 $0x100000, s0  }
0x133: {  	[sflag:s0] =	ssyncadd.tile.s32 @!p0 $0x1;
	_ =	shalt  }
.Lfunc_end2:
_tile_overlayer_lowered:
.L_overlay_start_2:
0x134: {  	(tag) =	ssettag $0x2  }
0x135: {  	s0 =	rddreg [dreg:$0x0];
	s2 =	stileid.u32  }
0x136: {  	s1 =	rddreg [dreg:$0x1];
	p0 =	sne.s32 s2, $0x0  }
0x137: {  	s3 =	rddreg [dreg:$0x2];
	[bflag:$0x3] =	sbarrier.arrive $0xFFFF;
	s2 =	simm.s32 @!p0 $0x1C02  }
0x138: {  	[timem:s3], [sflag:s2] =	dma.local @!p0 [hbm:s0], s1  }
0x139: {  	s0 =	simm.s32 @!p0 $0x2  }
0x13a: {  	_ =	swait.ge @!p0 [sflag:s0], s1  }
0x13b: {  	s1 =	ssub.s32 @!p0 $0x0, s1;
	[sflag:s0] =	ssyncset.done @!p0 $0x0  }
0x13c: {  	[sflag:s0] =	ssyncadd.s32 @!p0 s1  }
0x13d: {  	[bflag:$0x3] =	sbarrier.arrive $0xFFFF  }
0x13e: {  	_ =	shalt  }

</sc_bundles>
